<compile_context>
chip_gen: v7x
topology: tpu7x:2x2x1
jax: 0.10.2.dev20260603
libtpu: 0.0.44.dev20260713+nightly
codegen_flags: <defaults>
</compile_context>

<pallas_src>
import functools

import jax
import jax.numpy as jnp
from jax import lax
from jax.experimental import pallas as pl
from jax.experimental.pallas import tpu as pltpu
from jax.experimental.pallas import tpu_sc as plsc

B, L = 1024, 200
N = B * L
VOCAB = 1000000
DID, DCAT = 64, 32
H = 128
MAX_LAG_MIN = 1440.0
MAX_ELAPSED = 300.0

_NC, _NS = 2, 16
_NW = _NC * _NS
_CHUNK = 128
_ROWS_PW = N // _NW
_CHUNKS_PW = _ROWS_PW // _CHUNK

_MESH = dict(core_axis_name="c", subcore_axis_name="s",
             num_cores=_NC, num_subcores=_NS)


def _make_sc_gather_body(width):
    def body(tab, idx, out, idxv, rows_a, rows_b, sem_a, sem_b):
        wid = lax.axis_index("s") * _NC + lax.axis_index("c")
        base = wid * _ROWS_PW
        pltpu.sync_copy(idx.at[pl.ds(base, _ROWS_PW)], idxv)

        def gather(k, buf, sem):
            return pltpu.make_async_copy(
                tab.at[idxv.at[pl.ds(k * _CHUNK, _CHUNK)]], buf, sem)

        def writeback(k, buf):
            pltpu.sync_copy(
                buf, out.at[pl.ds(base + k * _CHUNK, _CHUNK),
                            pl.ds(0, width)])

        gather(0, rows_a, sem_a).start()

        def step(k2, carry):
            k = 2 * k2
            gather(k + 1, rows_b, sem_b).start()
            gather(k, rows_a, sem_a).wait()
            writeback(k, rows_a)

            @pl.when(k + 2 < _CHUNKS_PW)
            def _():
                gather(k + 2, rows_a, sem_a).start()

            gather(k + 1, rows_b, sem_b).wait()
            writeback(k + 1, rows_b)
            return carry

        lax.fori_loop(0, _CHUNKS_PW // 2, step, 0)

    return body


@functools.cache
def _get_sc_gather(width, tiled, dtype):
    return pl.kernel(
        _make_sc_gather_body(width),
        out_type=jax.ShapeDtypeStruct((N, H), dtype),
        mesh=plsc.VectorSubcoreMesh(**_MESH),
        scratch_types=[
            pltpu.VMEM((_ROWS_PW,), jnp.int32),
            pltpu.VMEM((_CHUNK, width), dtype),
            pltpu.VMEM((_CHUNK, width), dtype),
            pltpu.SemaphoreType.DMA,
            pltpu.SemaphoreType.DMA,
        ],
        compiler_params=pltpu.CompilerParams(use_tc_tiling_on_sc=tiled),
    )


def _numeric_feats(ts, el):
    rows, cols = ts.shape
    neg = jnp.int32(-(2 ** 31))
    prev = jnp.concatenate([ts[:1, :], ts[:-1, :]], axis=0)
    row = lax.broadcasted_iota(jnp.int32, ts.shape, 0)
    d = jnp.where(row == 0, ts, jnp.where(ts != prev, prev, neg))
    k = 1
    while k < rows:
        shifted = jnp.concatenate(
            [jnp.full((k, cols), neg, jnp.int32), d[:-k, :]], axis=0)
        d = jnp.maximum(d, shifted)
        k *= 2
    lag = (ts - d).astype(jnp.float32) / (1000.0 * 60.0)
    x0 = jnp.log1p(jnp.clip(lag, 0.0, MAX_LAG_MIN))
    x1 = jnp.clip(el, 0.0, MAX_ELAPSED)
    return x0, x1


def _stats_body(ts_ref, el_ref, st_ref):
    x0, x1 = _numeric_feats(ts_ref[...], el_ref[...])
    m0 = jnp.mean(x0)
    v0 = jnp.mean((x0 - m0) ** 2)
    m1 = jnp.mean(x1)
    v1 = jnp.mean((x1 - m1) ** 2)
    st_ref[...] = jnp.concatenate(
        [m0.reshape(1, 1), v0.reshape(1, 1),
         m1.reshape(1, 1), v1.reshape(1, 1)], axis=1)


_stats = pl.pallas_call(
    _stats_body,
    out_shape=jax.ShapeDtypeStruct((1, 4), jnp.float32),
)


_RB = 16
_TBLK = _RB * L
_STEPS = B // _RB


def _main_body(gid_ref, gcat_ref, ts_ref, el_ref, mid_ref, s_ref, out_ref):
    x0, x1 = _numeric_feats(ts_ref[0], el_ref[0])
    x0_parts = []
    x1_parts = []
    for r in range(_RB):
        x0_parts.append(x0[:, r:r + 1])
        x1_parts.append(x1[:, r:r + 1])
    x0v = jnp.concatenate(x0_parts, axis=0)
    x1v = jnp.concatenate(x1_parts, axis=0)

    s = s_ref[...]
    acc = jnp.dot(gid_ref[...][:, :DID], mid_ref[...],
                  preferred_element_type=jnp.float32)
    acc = acc + gcat_ref[...]
    acc = acc + x0v * s[0:1, :] + x1v * s[1:2, :] + s[2:3, :]
    mu = jnp.mean(acc, axis=1, keepdims=True)
    xc = acc - mu
    var = jnp.mean(xc * xc, axis=1, keepdims=True)
    out_ref[...] = xc * lax.rsqrt(var + 1e-12) * s[3:4, :] + s[4:5, :]


_main = pl.pallas_call(
    _main_body,
    grid=(_STEPS,),
    in_specs=[
        pl.BlockSpec((_TBLK, H), lambda i: (i, 0)),
        pl.BlockSpec((_TBLK, H), lambda i: (i, 0)),
        pl.BlockSpec((1, L, _RB), lambda i: (i, 0, 0)),
        pl.BlockSpec((1, L, _RB), lambda i: (i, 0, 0)),
        pl.BlockSpec((DID, H), lambda i: (0, 0)),
        pl.BlockSpec((8, H), lambda i: (0, 0)),
    ],
    out_specs=pl.BlockSpec((_TBLK, H), lambda i: (i, 0)),
    out_shape=jax.ShapeDtypeStruct((N, H), jnp.float32),
)


def _to_blocks_t(x):
    return x.reshape(_STEPS, _RB, L).transpose(0, 2, 1)


def kernel(input_ids, category_ids, response_ids, timestamp, elapsed_time,
           resp_emb, id_emb, cat_emb, bn_gamma, bn_beta, num_W, num_b,
           content_W, content_b, resp_W, resp_b, lin_W, lin_b, ln_g, ln_b):
    L1 = lin_W[:, :H].T
    L2 = lin_W[:, H:].T
    m_id = content_W[:, :DID].T @ L1
    m_cat = content_W[:, DID:].T @ L1
    t_cat = cat_emb @ m_cat
    t_resp = resp_emb @ (resp_W[:, :16].T @ L2)
    t_cat4 = (t_cat[:, None, :] + t_resp[None, :, :]).reshape(4 * 1000, H)

    idx_id = input_ids.astype(jnp.int32).reshape(N)
    idx_c4 = (category_ids.astype(jnp.int32) * 4
              + response_ids.astype(jnp.int32)).reshape(N)
    gid = _get_sc_gather(DID, False, jnp.float32)(id_emb, idx_id)
    gcat = _get_sc_gather(H, True, jnp.float32)(t_cat4, idx_c4)

    stats = _stats(timestamp.T, elapsed_time.T)

    x32 = resp_W[:, 16:].T @ L2
    m_num = num_W.T @ x32
    bias = content_b @ L1 + num_b @ x32 + resp_b @ L2 + lin_b

    mean = stats[0, 0::2]
    var = stats[0, 1::2]
    sc = bn_gamma / jnp.sqrt(var + 1e-5)
    tc = bn_beta - mean * sc
    m_num_eff = m_num * sc[:, None]
    bias_f = bias + tc @ m_num

    s = (jnp.zeros((8, H), jnp.float32)
         .at[0:2].set(m_num_eff)
         .at[2].set(bias_f)
         .at[3].set(ln_g)
         .at[4].set(ln_b))

    out = _main(gid, gcat,
                _to_blocks_t(timestamp),
                _to_blocks_t(elapsed_time),
                m_id, s)
    return out.reshape(B, L, H)

# --- scband reference (transcript-rebuilt; emitter-appended) ---
"""Pipeline reference for scband-knowledge-embeddings-8065948582453 (READ-ONLY COPY).

The authoritative reference and input builder live on the scoring server;
editing this copy changes nothing except your own understanding.
"""

import jax, jax.numpy as jnp
import numpy as np

B, L = 1024, 200
VOCAB = 1000000
CAT = 1000
CONTENT_DIM = 64
EMB_DIM = 32
RESP_DIM = 16
HIDDEN = 128
MAX_LAG_MIN = 1440.0
MAX_ELAPSED = 300.0


def setup_inputs(seed: int = 0):
    key = jax.random.key(seed)
    ks = jax.random.split(key, 16)
    inp = {}
    inp["input_ids"] = jax.random.randint(ks[0], (B, L), 0, VOCAB)
    inp["category_ids"] = jax.random.randint(ks[1], (B, L), 0, CAT)
    inp["response_ids"] = jax.random.randint(ks[2], (B, L), 0, 4)
    inp["timestamp"] = jnp.sort(jax.random.randint(ks[3], (B, L), 0, 10000000), axis=-1)
    inp["elapsed_time"] = jax.random.uniform(ks[4], (B, L), dtype=jnp.float32) * 300.0
    inp["resp_emb"] = (jax.random.normal(ks[5], (4, RESP_DIM), dtype=jnp.float32) * 0.02).at[0].set(0.0)
    inp["id_emb"] = (jax.random.normal(ks[6], (VOCAB, CONTENT_DIM), dtype=jnp.float32) * 0.02).at[0].set(0.0)
    inp["cat_emb"] = (jax.random.normal(ks[7], (CAT, EMB_DIM), dtype=jnp.float32) * 0.02).at[0].set(0.0)
    inp["bn_gamma"] = jnp.ones((2,), jnp.float32)
    inp["bn_beta"] = jnp.zeros((2,), jnp.float32)
    inp["num_W"] = jax.random.normal(ks[8], (EMB_DIM, 2), dtype=jnp.float32) * 0.02
    inp["num_b"] = jnp.zeros((EMB_DIM,), jnp.float32)
    inp["content_W"] = jax.random.normal(ks[9], (HIDDEN, CONTENT_DIM + EMB_DIM), dtype=jnp.float32) * 0.02
    inp["content_b"] = jnp.zeros((HIDDEN,), jnp.float32)
    inp["resp_W"] = jax.random.normal(ks[10], (HIDDEN, RESP_DIM + EMB_DIM), dtype=jnp.float32) * 0.02
    inp["resp_b"] = jnp.zeros((HIDDEN,), jnp.float32)
    inp["lin_W"] = jax.random.normal(ks[11], (HIDDEN, 2 * HIDDEN), dtype=jnp.float32) * 0.02
    inp["lin_b"] = jnp.zeros((HIDDEN,), jnp.float32)
    inp["ln_g"] = jnp.ones((HIDDEN,), jnp.float32)
    inp["ln_b"] = jnp.zeros((HIDDEN,), jnp.float32)
    return inp


def _lag_time(timestamp):
    Bq, Lq = timestamp.shape
    flat = timestamp.reshape(-1)
    change = jnp.concatenate([jnp.ones((1,), dtype=bool), flat[1:] != flat[:-1]])
    inverse = jnp.cumsum(change.astype(jnp.int32)) - 1
    # value of each consecutive-unique segment, padded to full length (jit-safe unique_consecutive)
    unique_full = jnp.zeros_like(flat).at[inverse].set(flat)
    inv = inverse.reshape(Bq, Lq)
    inv2 = jnp.maximum(inv.min(axis=1, keepdims=True), inv - 1)
    lag = (timestamp - unique_full[inv2]).astype(jnp.float32) / (1000.0 * 60.0)
    return jnp.clip(lag, 0.0, MAX_LAG_MIN)


def _batchnorm1d(x, gamma, beta, eps=1e-5):
    # x: [B, L, C]; torch BatchNorm1d over transposed [B, C, L] in training mode ->
    # stats per channel over (B, L)
    mean = x.mean(axis=(0, 1))
    var = x.var(axis=(0, 1))
    return (x - mean) / jnp.sqrt(var + eps) * gamma + beta


def _layernorm(x, g, b, eps=1e-12):
    m = x.mean(axis=-1, keepdims=True)
    v = x.var(axis=-1, keepdims=True)
    return (x - m) / jnp.sqrt(v + eps) * g + b


def _forward(input_ids, category_ids, response_ids, timestamp, elapsed_time,
             resp_emb, id_emb, cat_emb, bn_gamma, bn_beta, num_W, num_b,
             content_W, content_b, resp_W, resp_b, lin_W, lin_b, ln_g, ln_b):
    # content branch
    inputs_embeds = jnp.take(id_emb, input_ids, axis=0)
    category_embeddings = jnp.take(cat_emb, category_ids, axis=0)
    content = jnp.concatenate([inputs_embeds, category_embeddings], axis=-1)
    content = content @ content_W.T + content_b
    # response branch
    response_embeddings = jnp.take(resp_emb, response_ids, axis=0)
    lag_time_num = _lag_time(timestamp)
    elapsed_num = jnp.clip(elapsed_time, 0.0, MAX_ELAPSED)
    numerical_states = jnp.stack([jnp.log1p(lag_time_num), elapsed_num], axis=-1)
    numerical = _batchnorm1d(numerical_states, bn_gamma, bn_beta)
    numerical = numerical @ num_W.T + num_b
    response = jnp.concatenate([response_embeddings, numerical], axis=-1)
    response = response @ resp_W.T + resp_b
    # merge
    emb = jnp.concatenate([content, response], axis=-1)
    emb = emb @ lin_W.T + lin_b
    emb = _layernorm(emb, ln_g, ln_b)
    return emb


def reference(input_ids, category_ids, response_ids, timestamp, elapsed_time,
              resp_emb, id_emb, cat_emb, bn_gamma, bn_beta, num_W, num_b,
              content_W, content_b, resp_W, resp_b, lin_W, lin_b, ln_g, ln_b):
    return _forward(input_ids, category_ids, response_ids, timestamp, elapsed_time,
                    resp_emb, id_emb, cat_emb, bn_gamma, bn_beta, num_W, num_b,
                    content_W, content_b, resp_W, resp_b, lin_W, lin_b, ln_g, ln_b)

if __name__ == "__main__":
    import jax
    _d = setup_inputs()
    print(jax.jit(kernel)(*tuple(_d.values())))

</pallas_src>

<mosaic_0001>
#map = affine_map<(d0, d1) -> (0, 0)>
#map1 = affine_map<(d0, d1) -> (0)>
module attributes {stable_mosaic.version = 14 : i64} {
  func.func @body(%arg0: i32, %arg1: i32, %arg2: memref<4000x128xf32, #tpu.memory_space<hbm>>, %arg3: memref<204800xi32, #tpu.memory_space<hbm>>, %arg4: memref<204800x128xf32, #tpu.memory_space<hbm>>, %arg5: memref<6400xi32, #tpu.memory_space<vmem>>, %arg6: memref<128x128xf32, #tpu.memory_space<vmem>>, %arg7: memref<128x128xf32, #tpu.memory_space<vmem>>, %arg8: memref<!tpu.dma_semaphore, #tpu.memory_space<semaphore_mem>>, %arg9: memref<!tpu.dma_semaphore, #tpu.memory_space<semaphore_mem>>) attributes {dimension_semantics = [#tpu.dimension_semantics<core_parallel>, #tpu.dimension_semantics<subcore_parallel>], iteration_bounds = array<i64: 2, 16>, scalar_prefetch = 0 : i64, scratch_operands = 5 : i64, tpu.core_type = #tpu.core_type<sc_vector_subcore>, window_params = [{transform_indices = #map}, {transform_indices = #map1}, {transform_indices = #map}]} {
    %mul3A = arith.constant 2 : i32
    %mul3A_0 = arith.muli %arg1, %mul3A : i32
    %add3A = arith.addi %mul3A_0, %arg0 : i32
    %mul3A_1 = arith.constant 6400 : i32
    %mul3A_2 = arith.muli %add3A, %mul3A_1 : i32
    "tpu.region"() ({
      %run_scoped3A = tpu.sem_alloc : memref<!tpu.dma_semaphore, #tpu.memory_space<semaphore_mem>>
      %dma_start3A_12 = tpu.memref_slice %arg3[%mul3A_2] : memref<204800xi32, #tpu.memory_space<hbm>> -> memref<6400xi32, #tpu.memory_space<hbm>>
      %dma_start3A_13 = tpu.memref_slice %arg3[%mul3A_2] : memref<204800xi32, #tpu.memory_space<hbm>> -> memref<6400xi32, #tpu.memory_space<hbm>>
      tpu.enqueue_dma source(%dma_start3A_13 : memref<6400xi32, #tpu.memory_space<hbm>>) target(%arg5 : memref<6400xi32, #tpu.memory_space<vmem>>) target_semaphore(%run_scoped3A : memref<!tpu.dma_semaphore, #tpu.memory_space<semaphore_mem>>)
      %dma_wait3A = tpu.memref_slice %arg3[%mul3A_2] : memref<204800xi32, #tpu.memory_space<hbm>> -> memref<6400xi32, #tpu.memory_space<hbm>>
      %dma_wait3A_14 = tpu.memref_slice %arg3[%mul3A_2] : memref<204800xi32, #tpu.memory_space<hbm>> -> memref<6400xi32, #tpu.memory_space<hbm>>
      tpu.wait_dma2 semaphore(%run_scoped3A : memref<!tpu.dma_semaphore, #tpu.memory_space<semaphore_mem>>) src(%dma_wait3A_14 : memref<6400xi32, #tpu.memory_space<hbm>>) dst(%arg5 : memref<6400xi32, #tpu.memory_space<vmem>>)
      tpu.yield
    }) : () -> ()
    %dma_start3A = arith.constant 0 : i32
    %dma_start3A_3 = tpu.memref_slice %arg5[%dma_start3A] : memref<6400xi32, #tpu.memory_space<vmem>> -> memref<128xi32, #tpu.memory_space<vmem>>
    %dma_start3A_4 = arith.constant 0 : i32
    %dma_start3A_5 = arith.constant 0 : i32
    %dma_start3A_6 = tpu.memref_slice %arg2[%dma_start3A_4, %dma_start3A_5] : memref<4000x128xf32, #tpu.memory_space<hbm>> -> memref<4000x128xf32, #tpu.memory_space<hbm>>
    tpu.enqueue_indirect_dma source(%dma_start3A_6 : memref<4000x128xf32, #tpu.memory_space<hbm>>) target(%arg6 : memref<128x128xf32, #tpu.memory_space<vmem>>) offsets(%dma_start3A_3 : memref<128xi32, #tpu.memory_space<vmem>>) semaphore(%arg8 : memref<!tpu.dma_semaphore, #tpu.memory_space<semaphore_mem>>)
    %scan3A = arith.constant 0 : i32
    %scan3A_7 = arith.constant 0 : i32
    %scan3A_8 = arith.constant 25 : i32
    %scan3A_9 = arith.addi %scan3A_7, %scan3A_8 : i32
    %scan3A_10 = arith.constant 1 : i32
    scf.for %scan3A_12 = %scan3A_7 to %scan3A_9 step %scan3A_10  : i32 {
      %mul3A_13 = arith.constant 2 : i32
      %mul3A_14 = arith.muli %mul3A_13, %scan3A_12 : i32
      %add3A_15 = arith.constant 1 : i32
      %add3A_16 = arith.addi %mul3A_14, %add3A_15 : i32
      %mul3A_17 = arith.constant 128 : i32
      %mul3A_18 = arith.muli %add3A_16, %mul3A_17 : i32
      %dma_start3A_19 = tpu.memref_slice %arg5[%mul3A_18] : memref<6400xi32, #tpu.memory_space<vmem>> -> memref<128xi32, #tpu.memory_space<vmem>>
      %dma_start3A_20 = arith.constant 0 : i32
      %dma_start3A_21 = arith.constant 0 : i32
      %dma_start3A_22 = tpu.memref_slice %arg2[%dma_start3A_20, %dma_start3A_21] : memref<4000x128xf32, #tpu.memory_space<hbm>> -> memref<4000x128xf32, #tpu.memory_space<hbm>>
      tpu.enqueue_indirect_dma source(%dma_start3A_22 : memref<4000x128xf32, #tpu.memory_space<hbm>>) target(%arg7 : memref<128x128xf32, #tpu.memory_space<vmem>>) offsets(%dma_start3A_19 : memref<128xi32, #tpu.memory_space<vmem>>) semaphore(%arg9 : memref<!tpu.dma_semaphore, #tpu.memory_space<semaphore_mem>>)
      %mul3A_23 = arith.constant 128 : i32
      %mul3A_24 = arith.muli %mul3A_14, %mul3A_23 : i32
      %dma_wait3A = tpu.memref_slice %arg5[%mul3A_24] : memref<6400xi32, #tpu.memory_space<vmem>> -> memref<128xi32, #tpu.memory_space<vmem>>
      %dma_wait3A_25 = arith.constant 0 : i32
      %dma_wait3A_26 = arith.constant 0 : i32
      %dma_wait3A_27 = tpu.memref_slice %arg2[%dma_wait3A_25, %dma_wait3A_26] : memref<4000x128xf32, #tpu.memory_space<hbm>> -> memref<4000x128xf32, #tpu.memory_space<hbm>>
      tpu.wait_indirect_dma semaphore(%arg8 : memref<!tpu.dma_semaphore, #tpu.memory_space<semaphore_mem>>) src(%dma_wait3A_27 : memref<4000x128xf32, #tpu.memory_space<hbm>>) dst(%arg6 : memref<128x128xf32, #tpu.memory_space<vmem>>)
      %mul3A_28 = arith.constant 128 : i32
      %mul3A_29 = arith.muli %mul3A_14, %mul3A_28 : i32
      %add3A_30 = arith.addi %mul3A_2, %mul3A_29 : i32
      "tpu.region"() ({
        %run_scoped3A = tpu.sem_alloc : memref<!tpu.dma_semaphore, #tpu.memory_space<semaphore_mem>>
        %dma_start3A_48 = arith.constant 0 : i32
        %dma_start3A_49 = tpu.memref_slice %arg4[%add3A_30, %dma_start3A_48] : memref<204800x128xf32, #tpu.memory_space<hbm>> -> memref<128x128xf32, #tpu.memory_space<hbm>>
        %dma_start3A_50 = arith.constant 0 : i32
        %dma_start3A_51 = tpu.memref_slice %arg4[%add3A_30, %dma_start3A_50] : memref<204800x128xf32, #tpu.memory_space<hbm>> -> memref<128x128xf32, #tpu.memory_space<hbm>>
        tpu.enqueue_dma source(%arg6 : memref<128x128xf32, #tpu.memory_space<vmem>>) target(%dma_start3A_51 : memref<128x128xf32, #tpu.memory_space<hbm>>) target_semaphore(%run_scoped3A : memref<!tpu.dma_semaphore, #tpu.memory_space<semaphore_mem>>)
        %dma_wait3A_52 = arith.constant 0 : i32
        %dma_wait3A_53 = tpu.memref_slice %arg4[%add3A_30, %dma_wait3A_52] : memref<204800x128xf32, #tpu.memory_space<hbm>> -> memref<128x128xf32, #tpu.memory_space<hbm>>
        %dma_wait3A_54 = arith.constant 0 : i32
        %dma_wait3A_55 = tpu.memref_slice %arg4[%add3A_30, %dma_wait3A_54] : memref<204800x128xf32, #tpu.memory_space<hbm>> -> memref<128x128xf32, #tpu.memory_space<hbm>>
        tpu.wait_dma2 semaphore(%run_scoped3A : memref<!tpu.dma_semaphore, #tpu.memory_space<semaphore_mem>>) src(%arg6 : memref<128x128xf32, #tpu.memory_space<vmem>>) dst(%dma_wait3A_55 : memref<128x128xf32, #tpu.memory_space<hbm>>)
        tpu.yield
      }) : () -> ()
      %add3A_31 = arith.constant 2 : i32
      %add3A_32 = arith.addi %mul3A_14, %add3A_31 : i32
      %lt3A = arith.constant 50 : i32
      %lt3A_33 = arith.cmpi slt, %add3A_32, %lt3A : i32
      %convert_element_type3A = arith.extui %lt3A_33 : i1 to i32
      %cond3A = arith.constant 0 : i32
      %cond3A_34 = arith.cmpi ne, %convert_element_type3A, %cond3A : i32
      scf.if %cond3A_34 {
        %add3A_48 = arith.constant 2 : i32
        %add3A_49 = arith.addi %mul3A_14, %add3A_48 : i32
        %mul3A_50 = arith.constant 128 : i32
        %mul3A_51 = arith.muli %add3A_49, %mul3A_50 : i32
        %dma_start3A_52 = tpu.memref_slice %arg5[%mul3A_51] : memref<6400xi32, #tpu.memory_space<vmem>> -> memref<128xi32, #tpu.memory_space<vmem>>
        %dma_start3A_53 = arith.constant 0 : i32
        %dma_start3A_54 = arith.constant 0 : i32
        %dma_start3A_55 = tpu.memref_slice %arg2[%dma_start3A_53, %dma_start3A_54] : memref<4000x128xf32, #tpu.memory_space<hbm>> -> memref<4000x128xf32, #tpu.memory_space<hbm>>
        tpu.enqueue_indirect_dma source(%dma_start3A_55 : memref<4000x128xf32, #tpu.memory_space<hbm>>) target(%arg6 : memref<128x128xf32, #tpu.memory_space<vmem>>) offsets(%dma_start3A_52 : memref<128xi32, #tpu.memory_space<vmem>>) semaphore(%arg8 : memref<!tpu.dma_semaphore, #tpu.memory_space<semaphore_mem>>)
      } else {
      }
      %add3A_35 = arith.constant 1 : i32
      %add3A_36 = arith.addi %mul3A_14, %add3A_35 : i32
      %mul3A_37 = arith.constant 128 : i32
      %mul3A_38 = arith.muli %add3A_36, %mul3A_37 : i32
      %dma_wait3A_39 = tpu.memref_slice %arg5[%mul3A_38] : memref<6400xi32, #tpu.memory_space<vmem>> -> memref<128xi32, #tpu.memory_space<vmem>>
      %dma_wait3A_40 = arith.constant 0 : i32
      %dma_wait3A_41 = arith.constant 0 : i32
      %dma_wait3A_42 = tpu.memref_slice %arg2[%dma_wait3A_40, %dma_wait3A_41] : memref<4000x128xf32, #tpu.memory_space<hbm>> -> memref<4000x128xf32, #tpu.memory_space<hbm>>
      tpu.wait_indirect_dma semaphore(%arg9 : memref<!tpu.dma_semaphore, #tpu.memory_space<semaphore_mem>>) src(%dma_wait3A_42 : memref<4000x128xf32, #tpu.memory_space<hbm>>) dst(%arg7 : memref<128x128xf32, #tpu.memory_space<vmem>>)
      %add3A_43 = arith.constant 1 : i32
      %add3A_44 = arith.addi %mul3A_14, %add3A_43 : i32
      %mul3A_45 = arith.constant 128 : i32
      %mul3A_46 = arith.muli %add3A_44, %mul3A_45 : i32
      %add3A_47 = arith.addi %mul3A_2, %mul3A_46 : i32
      "tpu.region"() ({
        %run_scoped3A = tpu.sem_alloc : memref<!tpu.dma_semaphore, #tpu.memory_space<semaphore_mem>>
        %dma_start3A_48 = arith.constant 0 : i32
        %dma_start3A_49 = tpu.memref_slice %arg4[%add3A_47, %dma_start3A_48] : memref<204800x128xf32, #tpu.memory_space<hbm>> -> memref<128x128xf32, #tpu.memory_space<hbm>>
        %dma_start3A_50 = arith.constant 0 : i32
        %dma_start3A_51 = tpu.memref_slice %arg4[%add3A_47, %dma_start3A_50] : memref<204800x128xf32, #tpu.memory_space<hbm>> -> memref<128x128xf32, #tpu.memory_space<hbm>>
        tpu.enqueue_dma source(%arg7 : memref<128x128xf32, #tpu.memory_space<vmem>>) target(%dma_start3A_51 : memref<128x128xf32, #tpu.memory_space<hbm>>) target_semaphore(%run_scoped3A : memref<!tpu.dma_semaphore, #tpu.memory_space<semaphore_mem>>)
        %dma_wait3A_52 = arith.constant 0 : i32
        %dma_wait3A_53 = tpu.memref_slice %arg4[%add3A_47, %dma_wait3A_52] : memref<204800x128xf32, #tpu.memory_space<hbm>> -> memref<128x128xf32, #tpu.memory_space<hbm>>
        %dma_wait3A_54 = arith.constant 0 : i32
        %dma_wait3A_55 = tpu.memref_slice %arg4[%add3A_47, %dma_wait3A_54] : memref<204800x128xf32, #tpu.memory_space<hbm>> -> memref<128x128xf32, #tpu.memory_space<hbm>>
        tpu.wait_dma2 semaphore(%run_scoped3A : memref<!tpu.dma_semaphore, #tpu.memory_space<semaphore_mem>>) src(%arg7 : memref<128x128xf32, #tpu.memory_space<vmem>>) dst(%dma_wait3A_55 : memref<128x128xf32, #tpu.memory_space<hbm>>)
        tpu.yield
      }) : () -> ()
    }
    %scan3A_11 = arith.constant 25 : i32
    return
  }
}

#map = affine_map<(d0, d1) -> (0, 0)>
#map1 = affine_map<(d0, d1) -> (0)>
module attributes {stable_mosaic.version = 14 : i64} {
  func.func @body(%arg0: i32, %arg1: i32, %arg2: memref<1000000x64xf32, #tpu.memory_space<hbm>>, %arg3: memref<204800xi32, #tpu.memory_space<hbm>>, %arg4: memref<204800x128xf32, #tpu.memory_space<hbm>>, %arg5: memref<6400xi32, #tpu.memory_space<vmem>>, %arg6: memref<128x64xf32, #tpu.memory_space<vmem>>, %arg7: memref<128x64xf32, #tpu.memory_space<vmem>>, %arg8: memref<!tpu.dma_semaphore, #tpu.memory_space<semaphore_mem>>, %arg9: memref<!tpu.dma_semaphore, #tpu.memory_space<semaphore_mem>>) attributes {dimension_semantics = [#tpu.dimension_semantics<core_parallel>, #tpu.dimension_semantics<subcore_parallel>], iteration_bounds = array<i64: 2, 16>, scalar_prefetch = 0 : i64, scratch_operands = 5 : i64, tpu.core_type = #tpu.core_type<sc_vector_subcore>, window_params = [{transform_indices = #map}, {transform_indices = #map1}, {transform_indices = #map}]} {
    %mul3A = arith.constant 2 : i32
    %mul3A_0 = arith.muli %arg1, %mul3A : i32
    %add3A = arith.addi %mul3A_0, %arg0 : i32
    %mul3A_1 = arith.constant 6400 : i32
    %mul3A_2 = arith.muli %add3A, %mul3A_1 : i32
    "tpu.region"() ({
      %run_scoped3A = tpu.sem_alloc : memref<!tpu.dma_semaphore, #tpu.memory_space<semaphore_mem>>
      %dma_start3A_12 = tpu.memref_slice %arg3[%mul3A_2] : memref<204800xi32, #tpu.memory_space<hbm>> -> memref<6400xi32, #tpu.memory_space<hbm>>
      %dma_start3A_13 = tpu.memref_slice %arg3[%mul3A_2] : memref<204800xi32, #tpu.memory_space<hbm>> -> memref<6400xi32, #tpu.memory_space<hbm>>
      tpu.enqueue_dma source(%dma_start3A_13 : memref<6400xi32, #tpu.memory_space<hbm>>) target(%arg5 : memref<6400xi32, #tpu.memory_space<vmem>>) target_semaphore(%run_scoped3A : memref<!tpu.dma_semaphore, #tpu.memory_space<semaphore_mem>>)
      %dma_wait3A = tpu.memref_slice %arg3[%mul3A_2] : memref<204800xi32, #tpu.memory_space<hbm>> -> memref<6400xi32, #tpu.memory_space<hbm>>
      %dma_wait3A_14 = tpu.memref_slice %arg3[%mul3A_2] : memref<204800xi32, #tpu.memory_space<hbm>> -> memref<6400xi32, #tpu.memory_space<hbm>>
      tpu.wait_dma2 semaphore(%run_scoped3A : memref<!tpu.dma_semaphore, #tpu.memory_space<semaphore_mem>>) src(%dma_wait3A_14 : memref<6400xi32, #tpu.memory_space<hbm>>) dst(%arg5 : memref<6400xi32, #tpu.memory_space<vmem>>)
      tpu.yield
    }) : () -> ()
    %dma_start3A = arith.constant 0 : i32
    %dma_start3A_3 = tpu.memref_slice %arg5[%dma_start3A] : memref<6400xi32, #tpu.memory_space<vmem>> -> memref<128xi32, #tpu.memory_space<vmem>>
    %dma_start3A_4 = arith.constant 0 : i32
    %dma_start3A_5 = arith.constant 0 : i32
    %dma_start3A_6 = tpu.memref_slice %arg2[%dma_start3A_4, %dma_start3A_5] : memref<1000000x64xf32, #tpu.memory_space<hbm>> -> memref<1000000x64xf32, #tpu.memory_space<hbm>>
    tpu.enqueue_indirect_dma source(%dma_start3A_6 : memref<1000000x64xf32, #tpu.memory_space<hbm>>) target(%arg6 : memref<128x64xf32, #tpu.memory_space<vmem>>) offsets(%dma_start3A_3 : memref<128xi32, #tpu.memory_space<vmem>>) semaphore(%arg8 : memref<!tpu.dma_semaphore, #tpu.memory_space<semaphore_mem>>)
    %scan3A = arith.constant 0 : i32
    %scan3A_7 = arith.constant 0 : i32
    %scan3A_8 = arith.constant 25 : i32
    %scan3A_9 = arith.addi %scan3A_7, %scan3A_8 : i32
    %scan3A_10 = arith.constant 1 : i32
    scf.for %scan3A_12 = %scan3A_7 to %scan3A_9 step %scan3A_10  : i32 {
      %mul3A_13 = arith.constant 2 : i32
      %mul3A_14 = arith.muli %mul3A_13, %scan3A_12 : i32
      %add3A_15 = arith.constant 1 : i32
      %add3A_16 = arith.addi %mul3A_14, %add3A_15 : i32
      %mul3A_17 = arith.constant 128 : i32
      %mul3A_18 = arith.muli %add3A_16, %mul3A_17 : i32
      %dma_start3A_19 = tpu.memref_slice %arg5[%mul3A_18] : memref<6400xi32, #tpu.memory_space<vmem>> -> memref<128xi32, #tpu.memory_space<vmem>>
      %dma_start3A_20 = arith.constant 0 : i32
      %dma_start3A_21 = arith.constant 0 : i32
      %dma_start3A_22 = tpu.memref_slice %arg2[%dma_start3A_20, %dma_start3A_21] : memref<1000000x64xf32, #tpu.memory_space<hbm>> -> memref<1000000x64xf32, #tpu.memory_space<hbm>>
      tpu.enqueue_indirect_dma source(%dma_start3A_22 : memref<1000000x64xf32, #tpu.memory_space<hbm>>) target(%arg7 : memref<128x64xf32, #tpu.memory_space<vmem>>) offsets(%dma_start3A_19 : memref<128xi32, #tpu.memory_space<vmem>>) semaphore(%arg9 : memref<!tpu.dma_semaphore, #tpu.memory_space<semaphore_mem>>)
      %mul3A_23 = arith.constant 128 : i32
      %mul3A_24 = arith.muli %mul3A_14, %mul3A_23 : i32
      %dma_wait3A = tpu.memref_slice %arg5[%mul3A_24] : memref<6400xi32, #tpu.memory_space<vmem>> -> memref<128xi32, #tpu.memory_space<vmem>>
      %dma_wait3A_25 = arith.constant 0 : i32
      %dma_wait3A_26 = arith.constant 0 : i32
      %dma_wait3A_27 = tpu.memref_slice %arg2[%dma_wait3A_25, %dma_wait3A_26] : memref<1000000x64xf32, #tpu.memory_space<hbm>> -> memref<1000000x64xf32, #tpu.memory_space<hbm>>
      tpu.wait_indirect_dma semaphore(%arg8 : memref<!tpu.dma_semaphore, #tpu.memory_space<semaphore_mem>>) src(%dma_wait3A_27 : memref<1000000x64xf32, #tpu.memory_space<hbm>>) dst(%arg6 : memref<128x64xf32, #tpu.memory_space<vmem>>)
      %mul3A_28 = arith.constant 128 : i32
      %mul3A_29 = arith.muli %mul3A_14, %mul3A_28 : i32
      %add3A_30 = arith.addi %mul3A_2, %mul3A_29 : i32
      "tpu.region"() ({
        %run_scoped3A = tpu.sem_alloc : memref<!tpu.dma_semaphore, #tpu.memory_space<semaphore_mem>>
        %dma_start3A_48 = arith.constant 0 : i32
        %dma_start3A_49 = tpu.memref_slice %arg4[%add3A_30, %dma_start3A_48] : memref<204800x128xf32, #tpu.memory_space<hbm>> -> memref<128x64xf32, #tpu.memory_space<hbm>>
        %dma_start3A_50 = arith.constant 0 : i32
        %dma_start3A_51 = tpu.memref_slice %arg4[%add3A_30, %dma_start3A_50] : memref<204800x128xf32, #tpu.memory_space<hbm>> -> memref<128x64xf32, #tpu.memory_space<hbm>>
        tpu.enqueue_dma source(%arg6 : memref<128x64xf32, #tpu.memory_space<vmem>>) target(%dma_start3A_51 : memref<128x64xf32, #tpu.memory_space<hbm>>) target_semaphore(%run_scoped3A : memref<!tpu.dma_semaphore, #tpu.memory_space<semaphore_mem>>)
        %dma_wait3A_52 = arith.constant 0 : i32
        %dma_wait3A_53 = tpu.memref_slice %arg4[%add3A_30, %dma_wait3A_52] : memref<204800x128xf32, #tpu.memory_space<hbm>> -> memref<128x64xf32, #tpu.memory_space<hbm>>
        %dma_wait3A_54 = arith.constant 0 : i32
        %dma_wait3A_55 = tpu.memref_slice %arg4[%add3A_30, %dma_wait3A_54] : memref<204800x128xf32, #tpu.memory_space<hbm>> -> memref<128x64xf32, #tpu.memory_space<hbm>>
        tpu.wait_dma2 semaphore(%run_scoped3A : memref<!tpu.dma_semaphore, #tpu.memory_space<semaphore_mem>>) src(%arg6 : memref<128x64xf32, #tpu.memory_space<vmem>>) dst(%dma_wait3A_55 : memref<128x64xf32, #tpu.memory_space<hbm>>)
        tpu.yield
      }) : () -> ()
      %add3A_31 = arith.constant 2 : i32
      %add3A_32 = arith.addi %mul3A_14, %add3A_31 : i32
      %lt3A = arith.constant 50 : i32
      %lt3A_33 = arith.cmpi slt, %add3A_32, %lt3A : i32
      %convert_element_type3A = arith.extui %lt3A_33 : i1 to i32
      %cond3A = arith.constant 0 : i32
      %cond3A_34 = arith.cmpi ne, %convert_element_type3A, %cond3A : i32
      scf.if %cond3A_34 {
        %add3A_48 = arith.constant 2 : i32
        %add3A_49 = arith.addi %mul3A_14, %add3A_48 : i32
        %mul3A_50 = arith.constant 128 : i32
        %mul3A_51 = arith.muli %add3A_49, %mul3A_50 : i32
        %dma_start3A_52 = tpu.memref_slice %arg5[%mul3A_51] : memref<6400xi32, #tpu.memory_space<vmem>> -> memref<128xi32, #tpu.memory_space<vmem>>
        %dma_start3A_53 = arith.constant 0 : i32
        %dma_start3A_54 = arith.constant 0 : i32
        %dma_start3A_55 = tpu.memref_slice %arg2[%dma_start3A_53, %dma_start3A_54] : memref<1000000x64xf32, #tpu.memory_space<hbm>> -> memref<1000000x64xf32, #tpu.memory_space<hbm>>
        tpu.enqueue_indirect_dma source(%dma_start3A_55 : memref<1000000x64xf32, #tpu.memory_space<hbm>>) target(%arg6 : memref<128x64xf32, #tpu.memory_space<vmem>>) offsets(%dma_start3A_52 : memref<128xi32, #tpu.memory_space<vmem>>) semaphore(%arg8 : memref<!tpu.dma_semaphore, #tpu.memory_space<semaphore_mem>>)
      } else {
      }
      %add3A_35 = arith.constant 1 : i32
      %add3A_36 = arith.addi %mul3A_14, %add3A_35 : i32
      %mul3A_37 = arith.constant 128 : i32
      %mul3A_38 = arith.muli %add3A_36, %mul3A_37 : i32
      %dma_wait3A_39 = tpu.memref_slice %arg5[%mul3A_38] : memref<6400xi32, #tpu.memory_space<vmem>> -> memref<128xi32, #tpu.memory_space<vmem>>
      %dma_wait3A_40 = arith.constant 0 : i32
      %dma_wait3A_41 = arith.constant 0 : i32
      %dma_wait3A_42 = tpu.memref_slice %arg2[%dma_wait3A_40, %dma_wait3A_41] : memref<1000000x64xf32, #tpu.memory_space<hbm>> -> memref<1000000x64xf32, #tpu.memory_space<hbm>>
      tpu.wait_indirect_dma semaphore(%arg9 : memref<!tpu.dma_semaphore, #tpu.memory_space<semaphore_mem>>) src(%dma_wait3A_42 : memref<1000000x64xf32, #tpu.memory_space<hbm>>) dst(%arg7 : memref<128x64xf32, #tpu.memory_space<vmem>>)
      %add3A_43 = arith.constant 1 : i32
      %add3A_44 = arith.addi %mul3A_14, %add3A_43 : i32
      %mul3A_45 = arith.constant 128 : i32
      %mul3A_46 = arith.muli %add3A_44, %mul3A_45 : i32
      %add3A_47 = arith.addi %mul3A_2, %mul3A_46 : i32
      "tpu.region"() ({
        %run_scoped3A = tpu.sem_alloc : memref<!tpu.dma_semaphore, #tpu.memory_space<semaphore_mem>>
        %dma_start3A_48 = arith.constant 0 : i32
        %dma_start3A_49 = tpu.memref_slice %arg4[%add3A_47, %dma_start3A_48] : memref<204800x128xf32, #tpu.memory_space<hbm>> -> memref<128x64xf32, #tpu.memory_space<hbm>>
        %dma_start3A_50 = arith.constant 0 : i32
        %dma_start3A_51 = tpu.memref_slice %arg4[%add3A_47, %dma_start3A_50] : memref<204800x128xf32, #tpu.memory_space<hbm>> -> memref<128x64xf32, #tpu.memory_space<hbm>>
        tpu.enqueue_dma source(%arg7 : memref<128x64xf32, #tpu.memory_space<vmem>>) target(%dma_start3A_51 : memref<128x64xf32, #tpu.memory_space<hbm>>) target_semaphore(%run_scoped3A : memref<!tpu.dma_semaphore, #tpu.memory_space<semaphore_mem>>)
        %dma_wait3A_52 = arith.constant 0 : i32
        %dma_wait3A_53 = tpu.memref_slice %arg4[%add3A_47, %dma_wait3A_52] : memref<204800x128xf32, #tpu.memory_space<hbm>> -> memref<128x64xf32, #tpu.memory_space<hbm>>
        %dma_wait3A_54 = arith.constant 0 : i32
        %dma_wait3A_55 = tpu.memref_slice %arg4[%add3A_47, %dma_wait3A_54] : memref<204800x128xf32, #tpu.memory_space<hbm>> -> memref<128x64xf32, #tpu.memory_space<hbm>>
        tpu.wait_dma2 semaphore(%run_scoped3A : memref<!tpu.dma_semaphore, #tpu.memory_space<semaphore_mem>>) src(%arg7 : memref<128x64xf32, #tpu.memory_space<vmem>>) dst(%dma_wait3A_55 : memref<128x64xf32, #tpu.memory_space<hbm>>)
        tpu.yield
      }) : () -> ()
    }
    %scan3A_11 = arith.constant 25 : i32
    return
  }
}

module attributes {stable_mosaic.version = 14 : i64} {
  func.func @_stats_body(%arg0: memref<200x1024xi32, #tpu.memory_space<vmem>>, %arg1: memref<200x1024xf32, #tpu.memory_space<vmem>>, %arg2: memref<1x4xf32, #tpu.memory_space<vmem>>) attributes {dimension_semantics = [], scalar_prefetch = 0 : i64, scratch_operands = 0 : i64, tpu.core_type = #tpu.core_type<tc>} {
    %get3A = arith.constant 0 : index
    %get3A_0 = arith.constant 0 : index
    %get3A_1 = vector.load %arg0[%get3A, %get3A_0] : memref<200x1024xi32, #tpu.memory_space<vmem>>, vector<200x1024xi32>
    %get3A_2 = arith.constant 0 : index
    %get3A_3 = arith.constant 0 : index
    %get3A_4 = vector.load %arg1[%get3A_2, %get3A_3] : memref<200x1024xf32, #tpu.memory_space<vmem>>, vector<200x1024xf32>
    %slice3A = vector.extract_strided_slice %get3A_1 {offsets = [0, 0], sizes = [1, 1024], strides = [1, 1]} : vector<200x1024xi32> to vector<1x1024xi32>
    %slice3A_5 = vector.extract_strided_slice %get3A_1 {offsets = [0, 0], sizes = [199, 1024], strides = [1, 1]} : vector<200x1024xi32> to vector<199x1024xi32>
    %concatenate3A = tpu.concatenate %slice3A, %slice3A_5 in 0 : vector<1x1024xi32>, vector<199x1024xi32> -> vector<200x1024xi32>
    %iota3A = tpu.iota {dimensions = array<i32: 0>} : vector<200x1024xi32>
    %eq3A = arith.constant 0 : i32
    %eq3A_6 = vector.broadcast %eq3A : i32 to vector<200x1024xi32>
    %eq3A_7 = arith.cmpi eq, %iota3A, %eq3A_6 : vector<200x1024xi32>
    %ne3A = arith.cmpi ne, %get3A_1, %concatenate3A : vector<200x1024xi32>
    %jit3A = arith.constant -2147483648 : i32
    %broadcast_in_dim3A = vector.broadcast %jit3A : i32 to vector<200x1024xi32>
    %select_n3A = arith.select %ne3A, %concatenate3A, %broadcast_in_dim3A : vector<200x1024xi1>, vector<200x1024xi32>
    %select_n3A_8 = arith.select %eq3A_7, %get3A_1, %select_n3A : vector<200x1024xi1>, vector<200x1024xi32>
    %broadcast_in_dim3A_9 = arith.constant -2147483648 : i32
    %broadcast_in_dim3A_10 = vector.broadcast %broadcast_in_dim3A_9 : i32 to vector<1x1024xi32>
    %slice3A_11 = vector.extract_strided_slice %select_n3A_8 {offsets = [0, 0], sizes = [199, 1024], strides = [1, 1]} : vector<200x1024xi32> to vector<199x1024xi32>
    %concatenate3A_12 = tpu.concatenate %broadcast_in_dim3A_10, %slice3A_11 in 0 : vector<1x1024xi32>, vector<199x1024xi32> -> vector<200x1024xi32>
    %max3A = arith.maxsi %select_n3A_8, %concatenate3A_12 : vector<200x1024xi32>
    %broadcast_in_dim3A_13 = arith.constant -2147483648 : i32
    %broadcast_in_dim3A_14 = vector.broadcast %broadcast_in_dim3A_13 : i32 to vector<2x1024xi32>
    %slice3A_15 = vector.extract_strided_slice %max3A {offsets = [0, 0], sizes = [198, 1024], strides = [1, 1]} : vector<200x1024xi32> to vector<198x1024xi32>
    %concatenate3A_16 = tpu.concatenate %broadcast_in_dim3A_14, %slice3A_15 in 0 : vector<2x1024xi32>, vector<198x1024xi32> -> vector<200x1024xi32>
    %max3A_17 = arith.maxsi %max3A, %concatenate3A_16 : vector<200x1024xi32>
    %broadcast_in_dim3A_18 = arith.constant -2147483648 : i32
    %broadcast_in_dim3A_19 = vector.broadcast %broadcast_in_dim3A_18 : i32 to vector<4x1024xi32>
    %slice3A_20 = vector.extract_strided_slice %max3A_17 {offsets = [0, 0], sizes = [196, 1024], strides = [1, 1]} : vector<200x1024xi32> to vector<196x1024xi32>
    %concatenate3A_21 = tpu.concatenate %broadcast_in_dim3A_19, %slice3A_20 in 0 : vector<4x1024xi32>, vector<196x1024xi32> -> vector<200x1024xi32>
    %max3A_22 = arith.maxsi %max3A_17, %concatenate3A_21 : vector<200x1024xi32>
    %broadcast_in_dim3A_23 = arith.constant -2147483648 : i32
    %broadcast_in_dim3A_24 = vector.broadcast %broadcast_in_dim3A_23 : i32 to vector<8x1024xi32>
    %slice3A_25 = vector.extract_strided_slice %max3A_22 {offsets = [0, 0], sizes = [192, 1024], strides = [1, 1]} : vector<200x1024xi32> to vector<192x1024xi32>
    %concatenate3A_26 = tpu.concatenate %broadcast_in_dim3A_24, %slice3A_25 in 0 : vector<8x1024xi32>, vector<192x1024xi32> -> vector<200x1024xi32>
    %max3A_27 = arith.maxsi %max3A_22, %concatenate3A_26 : vector<200x1024xi32>
    %broadcast_in_dim3A_28 = arith.constant -2147483648 : i32
    %broadcast_in_dim3A_29 = vector.broadcast %broadcast_in_dim3A_28 : i32 to vector<16x1024xi32>
    %slice3A_30 = vector.extract_strided_slice %max3A_27 {offsets = [0, 0], sizes = [184, 1024], strides = [1, 1]} : vector<200x1024xi32> to vector<184x1024xi32>
    %concatenate3A_31 = tpu.concatenate %broadcast_in_dim3A_29, %slice3A_30 in 0 : vector<16x1024xi32>, vector<184x1024xi32> -> vector<200x1024xi32>
    %max3A_32 = arith.maxsi %max3A_27, %concatenate3A_31 : vector<200x1024xi32>
    %broadcast_in_dim3A_33 = arith.constant -2147483648 : i32
    %broadcast_in_dim3A_34 = vector.broadcast %broadcast_in_dim3A_33 : i32 to vector<32x1024xi32>
    %slice3A_35 = vector.extract_strided_slice %max3A_32 {offsets = [0, 0], sizes = [168, 1024], strides = [1, 1]} : vector<200x1024xi32> to vector<168x1024xi32>
    %concatenate3A_36 = tpu.concatenate %broadcast_in_dim3A_34, %slice3A_35 in 0 : vector<32x1024xi32>, vector<168x1024xi32> -> vector<200x1024xi32>
    %max3A_37 = arith.maxsi %max3A_32, %concatenate3A_36 : vector<200x1024xi32>
    %broadcast_in_dim3A_38 = arith.constant -2147483648 : i32
    %broadcast_in_dim3A_39 = vector.broadcast %broadcast_in_dim3A_38 : i32 to vector<64x1024xi32>
    %slice3A_40 = vector.extract_strided_slice %max3A_37 {offsets = [0, 0], sizes = [136, 1024], strides = [1, 1]} : vector<200x1024xi32> to vector<136x1024xi32>
    %concatenate3A_41 = tpu.concatenate %broadcast_in_dim3A_39, %slice3A_40 in 0 : vector<64x1024xi32>, vector<136x1024xi32> -> vector<200x1024xi32>
    %max3A_42 = arith.maxsi %max3A_37, %concatenate3A_41 : vector<200x1024xi32>
    %broadcast_in_dim3A_43 = arith.constant -2147483648 : i32
    %broadcast_in_dim3A_44 = vector.broadcast %broadcast_in_dim3A_43 : i32 to vector<128x1024xi32>
    %slice3A_45 = vector.extract_strided_slice %max3A_42 {offsets = [0, 0], sizes = [72, 1024], strides = [1, 1]} : vector<200x1024xi32> to vector<72x1024xi32>
    %concatenate3A_46 = tpu.concatenate %broadcast_in_dim3A_44, %slice3A_45 in 0 : vector<128x1024xi32>, vector<72x1024xi32> -> vector<200x1024xi32>
    %max3A_47 = arith.maxsi %max3A_42, %concatenate3A_46 : vector<200x1024xi32>
    %sub3A = arith.subi %get3A_1, %max3A_47 : vector<200x1024xi32>
    %convert_element_type3A = arith.sitofp %sub3A : vector<200x1024xi32> to vector<200x1024xf32>
    %div3A = arith.constant 6.000000e+04 : f32
    %div3A_48 = vector.broadcast %div3A : f32 to vector<200x1024xf32>
    %div3A_49 = arith.divf %convert_element_type3A, %div3A_48 : vector<200x1024xf32>
    %jit3A_50 = arith.constant 0.000000e+00 : f32
    %jit3A_51 = arith.constant 1.440000e+03 : f32
    %max3A_52 = vector.broadcast %jit3A_50 : f32 to vector<200x1024xf32>
    %max3A_53 = arith.maximumf %max3A_52, %div3A_49 : vector<200x1024xf32>
    %min3A = vector.broadcast %jit3A_51 : f32 to vector<200x1024xf32>
    %min3A_54 = arith.minimumf %min3A, %max3A_53 : vector<200x1024xf32>
    %log1p3A = math.log1p %min3A_54 : vector<200x1024xf32>
    %jit3A_55 = arith.constant 0.000000e+00 : f32
    %jit3A_56 = arith.constant 3.000000e+02 : f32
    %max3A_57 = vector.broadcast %jit3A_55 : f32 to vector<200x1024xf32>
    %max3A_58 = arith.maximumf %max3A_57, %get3A_4 : vector<200x1024xf32>
    %min3A_59 = vector.broadcast %jit3A_56 : f32 to vector<200x1024xf32>
    %min3A_60 = arith.minimumf %min3A_59, %max3A_58 : vector<200x1024xf32>
    %reduce_sum3A = vector.shape_cast %log1p3A : vector<200x1024xf32> to vector<1x200x1024xf32>
    %reduce_sum3A_61 = arith.constant dense<0.000000e+00> : vector<1xf32>
    %reduce_sum3A_62 = vector.multi_reduction <add>, %reduce_sum3A, %reduce_sum3A_61 [1, 2] : vector<1x200x1024xf32> to vector<1xf32>
    %reduce_sum3A_63 = vector.shape_cast %reduce_sum3A_62 : vector<1xf32> to vector<1x1x1xf32>
    %reduce_sum3A_64 = vector.extract %reduce_sum3A_63[0, 0, 0] : f32 from vector<1x1x1xf32>
    %div3A_65 = arith.constant 2.048000e+05 : f32
    %div3A_66 = arith.divf %reduce_sum3A_64, %div3A_65 : f32
    %sub3A_67 = vector.broadcast %div3A_66 : f32 to vector<200x1024xf32>
    %sub3A_68 = arith.subf %log1p3A, %sub3A_67 : vector<200x1024xf32>
    %integer_pow3A = arith.mulf %sub3A_68, %sub3A_68 : vector<200x1024xf32>
    %reduce_sum3A_69 = vector.shape_cast %integer_pow3A : vector<200x1024xf32> to vector<1x200x1024xf32>
    %reduce_sum3A_70 = arith.constant dense<0.000000e+00> : vector<1xf32>
    %reduce_sum3A_71 = vector.multi_reduction <add>, %reduce_sum3A_69, %reduce_sum3A_70 [1, 2] : vector<1x200x1024xf32> to vector<1xf32>
    %reduce_sum3A_72 = vector.shape_cast %reduce_sum3A_71 : vector<1xf32> to vector<1x1x1xf32>
    %reduce_sum3A_73 = vector.extract %reduce_sum3A_72[0, 0, 0] : f32 from vector<1x1x1xf32>
    %div3A_74 = arith.constant 2.048000e+05 : f32
    %div3A_75 = arith.divf %reduce_sum3A_73, %div3A_74 : f32
    %reduce_sum3A_76 = vector.shape_cast %min3A_60 : vector<200x1024xf32> to vector<1x200x1024xf32>
    %reduce_sum3A_77 = arith.constant dense<0.000000e+00> : vector<1xf32>
    %reduce_sum3A_78 = vector.multi_reduction <add>, %reduce_sum3A_76, %reduce_sum3A_77 [1, 2] : vector<1x200x1024xf32> to vector<1xf32>
    %reduce_sum3A_79 = vector.shape_cast %reduce_sum3A_78 : vector<1xf32> to vector<1x1x1xf32>
    %reduce_sum3A_80 = vector.extract %reduce_sum3A_79[0, 0, 0] : f32 from vector<1x1x1xf32>
    %div3A_81 = arith.constant 2.048000e+05 : f32
    %div3A_82 = arith.divf %reduce_sum3A_80, %div3A_81 : f32
    %sub3A_83 = vector.broadcast %div3A_82 : f32 to vector<200x1024xf32>
    %sub3A_84 = arith.subf %min3A_60, %sub3A_83 : vector<200x1024xf32>
    %integer_pow3A_85 = arith.mulf %sub3A_84, %sub3A_84 : vector<200x1024xf32>
    %reduce_sum3A_86 = vector.shape_cast %integer_pow3A_85 : vector<200x1024xf32> to vector<1x200x1024xf32>
    %reduce_sum3A_87 = arith.constant dense<0.000000e+00> : vector<1xf32>
    %reduce_sum3A_88 = vector.multi_reduction <add>, %reduce_sum3A_86, %reduce_sum3A_87 [1, 2] : vector<1x200x1024xf32> to vector<1xf32>
    %reduce_sum3A_89 = vector.shape_cast %reduce_sum3A_88 : vector<1xf32> to vector<1x1x1xf32>
    %reduce_sum3A_90 = vector.extract %reduce_sum3A_89[0, 0, 0] : f32 from vector<1x1x1xf32>
    %div3A_91 = arith.constant 2.048000e+05 : f32
    %div3A_92 = arith.divf %reduce_sum3A_90, %div3A_91 : f32
    %reshape3A = vector.broadcast %div3A_66 : f32 to vector<1x1xf32>
    %reshape3A_93 = vector.broadcast %div3A_75 : f32 to vector<1x1xf32>
    %reshape3A_94 = vector.broadcast %div3A_82 : f32 to vector<1x1xf32>
    %reshape3A_95 = vector.broadcast %div3A_92 : f32 to vector<1x1xf32>
    %concatenate3A_96 = tpu.concatenate %reshape3A, %reshape3A_93, %reshape3A_94, %reshape3A_95 in 1 : vector<1x1xf32>, vector<1x1xf32>, vector<1x1xf32>, vector<1x1xf32> -> vector<1x4xf32>
    %swap3A = arith.constant 0 : index
    %swap3A_97 = arith.constant 0 : index
    %swap3A_98 = vector.load %arg2[%swap3A, %swap3A_97] : memref<1x4xf32, #tpu.memory_space<vmem>>, vector<1x4xf32>
    tpu.vector_store %arg2[%swap3A, %swap3A_97], %concatenate3A_96 {strides = array<i32>} : memref<1x4xf32, #tpu.memory_space<vmem>>, vector<1x4xf32>,
    return
  }
}

module attributes {stable_mosaic.version = 14 : i64} {
  func.func @_main_body(%arg0: i32, %arg1: memref<3200x128xf32, #tpu.memory_space<vmem>>, %arg2: memref<3200x128xf32, #tpu.memory_space<vmem>>, %arg3: memref<1x200x16xi32, #tpu.memory_space<vmem>>, %arg4: memref<1x200x16xf32, #tpu.memory_space<vmem>>, %arg5: memref<64x128xf32, #tpu.memory_space<vmem>>, %arg6: memref<8x128xf32, #tpu.memory_space<vmem>>, %arg7: memref<3200x128xf32, #tpu.memory_space<vmem>>) attributes {dimension_semantics = [#tpu.dimension_semantics<arbitrary>], iteration_bounds = array<i64: 64>, scalar_prefetch = 0 : i64, scratch_operands = 0 : i64, tpu.core_type = #tpu.core_type<tc>, window_params = [{transform_indices = @transform_0, window_bounds = array<i64: 3200, 128>}, {transform_indices = @transform_1, window_bounds = array<i64: 3200, 128>}, {transform_indices = @transform_2, window_bounds = array<i64: 1, 200, 16>}, {transform_indices = @transform_3, window_bounds = array<i64: 1, 200, 16>}, {pipeline_mode = #tpu.pipeline_mode<synchronous>, transform_indices = @transform_4, window_bounds = array<i64: 64, 128>}, {pipeline_mode = #tpu.pipeline_mode<synchronous>, transform_indices = @transform_5, window_bounds = array<i64: 8, 128>}, {transform_indices = @transform_6, window_bounds = array<i64: 3200, 128>}]} {
    %get3A = arith.constant 0 : index
    %get3A_0 = arith.constant 0 : index
    %get3A_1 = arith.constant 0 : index
    %get3A_2 = vector.load %arg3[%get3A, %get3A_0, %get3A_1] : memref<1x200x16xi32, #tpu.memory_space<vmem>>, vector<1x200x16xi32>
    %get3A_3 = vector.shape_cast %get3A_2 : vector<1x200x16xi32> to vector<200x16xi32>
    %get3A_4 = arith.constant 0 : index
    %get3A_5 = arith.constant 0 : index
    %get3A_6 = arith.constant 0 : index
    %get3A_7 = vector.load %arg4[%get3A_4, %get3A_5, %get3A_6] : memref<1x200x16xf32, #tpu.memory_space<vmem>>, vector<1x200x16xf32>
    %get3A_8 = vector.shape_cast %get3A_7 : vector<1x200x16xf32> to vector<200x16xf32>
    %slice3A = vector.extract_strided_slice %get3A_3 {offsets = [0, 0], sizes = [1, 16], strides = [1, 1]} : vector<200x16xi32> to vector<1x16xi32>
    %slice3A_9 = vector.extract_strided_slice %get3A_3 {offsets = [0, 0], sizes = [199, 16], strides = [1, 1]} : vector<200x16xi32> to vector<199x16xi32>
    %concatenate3A = tpu.concatenate %slice3A, %slice3A_9 in 0 : vector<1x16xi32>, vector<199x16xi32> -> vector<200x16xi32>
    %iota3A = tpu.iota {dimensions = array<i32: 0>} : vector<200x16xi32>
    %eq3A = arith.constant 0 : i32
    %eq3A_10 = vector.broadcast %eq3A : i32 to vector<200x16xi32>
    %eq3A_11 = arith.cmpi eq, %iota3A, %eq3A_10 : vector<200x16xi32>
    %ne3A = arith.cmpi ne, %get3A_3, %concatenate3A : vector<200x16xi32>
    %jit3A = arith.constant -2147483648 : i32
    %broadcast_in_dim3A = vector.broadcast %jit3A : i32 to vector<200x16xi32>
    %select_n3A = arith.select %ne3A, %concatenate3A, %broadcast_in_dim3A : vector<200x16xi1>, vector<200x16xi32>
    %select_n3A_12 = arith.select %eq3A_11, %get3A_3, %select_n3A : vector<200x16xi1>, vector<200x16xi32>
    %broadcast_in_dim3A_13 = arith.constant -2147483648 : i32
    %broadcast_in_dim3A_14 = vector.broadcast %broadcast_in_dim3A_13 : i32 to vector<1x16xi32>
    %slice3A_15 = vector.extract_strided_slice %select_n3A_12 {offsets = [0, 0], sizes = [199, 16], strides = [1, 1]} : vector<200x16xi32> to vector<199x16xi32>
    %concatenate3A_16 = tpu.concatenate %broadcast_in_dim3A_14, %slice3A_15 in 0 : vector<1x16xi32>, vector<199x16xi32> -> vector<200x16xi32>
    %max3A = arith.maxsi %select_n3A_12, %concatenate3A_16 : vector<200x16xi32>
    %broadcast_in_dim3A_17 = arith.constant -2147483648 : i32
    %broadcast_in_dim3A_18 = vector.broadcast %broadcast_in_dim3A_17 : i32 to vector<2x16xi32>
    %slice3A_19 = vector.extract_strided_slice %max3A {offsets = [0, 0], sizes = [198, 16], strides = [1, 1]} : vector<200x16xi32> to vector<198x16xi32>
    %concatenate3A_20 = tpu.concatenate %broadcast_in_dim3A_18, %slice3A_19 in 0 : vector<2x16xi32>, vector<198x16xi32> -> vector<200x16xi32>
    %max3A_21 = arith.maxsi %max3A, %concatenate3A_20 : vector<200x16xi32>
    %broadcast_in_dim3A_22 = arith.constant -2147483648 : i32
    %broadcast_in_dim3A_23 = vector.broadcast %broadcast_in_dim3A_22 : i32 to vector<4x16xi32>
    %slice3A_24 = vector.extract_strided_slice %max3A_21 {offsets = [0, 0], sizes = [196, 16], strides = [1, 1]} : vector<200x16xi32> to vector<196x16xi32>
    %concatenate3A_25 = tpu.concatenate %broadcast_in_dim3A_23, %slice3A_24 in 0 : vector<4x16xi32>, vector<196x16xi32> -> vector<200x16xi32>
    %max3A_26 = arith.maxsi %max3A_21, %concatenate3A_25 : vector<200x16xi32>
    %broadcast_in_dim3A_27 = arith.constant -2147483648 : i32
    %broadcast_in_dim3A_28 = vector.broadcast %broadcast_in_dim3A_27 : i32 to vector<8x16xi32>
    %slice3A_29 = vector.extract_strided_slice %max3A_26 {offsets = [0, 0], sizes = [192, 16], strides = [1, 1]} : vector<200x16xi32> to vector<192x16xi32>
    %concatenate3A_30 = tpu.concatenate %broadcast_in_dim3A_28, %slice3A_29 in 0 : vector<8x16xi32>, vector<192x16xi32> -> vector<200x16xi32>
    %max3A_31 = arith.maxsi %max3A_26, %concatenate3A_30 : vector<200x16xi32>
    %broadcast_in_dim3A_32 = arith.constant -2147483648 : i32
    %broadcast_in_dim3A_33 = vector.broadcast %broadcast_in_dim3A_32 : i32 to vector<16x16xi32>
    %slice3A_34 = vector.extract_strided_slice %max3A_31 {offsets = [0, 0], sizes = [184, 16], strides = [1, 1]} : vector<200x16xi32> to vector<184x16xi32>
    %concatenate3A_35 = tpu.concatenate %broadcast_in_dim3A_33, %slice3A_34 in 0 : vector<16x16xi32>, vector<184x16xi32> -> vector<200x16xi32>
    %max3A_36 = arith.maxsi %max3A_31, %concatenate3A_35 : vector<200x16xi32>
    %broadcast_in_dim3A_37 = arith.constant -2147483648 : i32
    %broadcast_in_dim3A_38 = vector.broadcast %broadcast_in_dim3A_37 : i32 to vector<32x16xi32>
    %slice3A_39 = vector.extract_strided_slice %max3A_36 {offsets = [0, 0], sizes = [168, 16], strides = [1, 1]} : vector<200x16xi32> to vector<168x16xi32>
    %concatenate3A_40 = tpu.concatenate %broadcast_in_dim3A_38, %slice3A_39 in 0 : vector<32x16xi32>, vector<168x16xi32> -> vector<200x16xi32>
    %max3A_41 = arith.maxsi %max3A_36, %concatenate3A_40 : vector<200x16xi32>
    %broadcast_in_dim3A_42 = arith.constant -2147483648 : i32
    %broadcast_in_dim3A_43 = vector.broadcast %broadcast_in_dim3A_42 : i32 to vector<64x16xi32>
    %slice3A_44 = vector.extract_strided_slice %max3A_41 {offsets = [0, 0], sizes = [136, 16], strides = [1, 1]} : vector<200x16xi32> to vector<136x16xi32>
    %concatenate3A_45 = tpu.concatenate %broadcast_in_dim3A_43, %slice3A_44 in 0 : vector<64x16xi32>, vector<136x16xi32> -> vector<200x16xi32>
    %max3A_46 = arith.maxsi %max3A_41, %concatenate3A_45 : vector<200x16xi32>
    %broadcast_in_dim3A_47 = arith.constant -2147483648 : i32
    %broadcast_in_dim3A_48 = vector.broadcast %broadcast_in_dim3A_47 : i32 to vector<128x16xi32>
    %slice3A_49 = vector.extract_strided_slice %max3A_46 {offsets = [0, 0], sizes = [72, 16], strides = [1, 1]} : vector<200x16xi32> to vector<72x16xi32>
    %concatenate3A_50 = tpu.concatenate %broadcast_in_dim3A_48, %slice3A_49 in 0 : vector<128x16xi32>, vector<72x16xi32> -> vector<200x16xi32>
    %max3A_51 = arith.maxsi %max3A_46, %concatenate3A_50 : vector<200x16xi32>
    %sub3A = arith.subi %get3A_3, %max3A_51 : vector<200x16xi32>
    %convert_element_type3A = arith.sitofp %sub3A : vector<200x16xi32> to vector<200x16xf32>
    %div3A = arith.constant 6.000000e+04 : f32
    %div3A_52 = vector.broadcast %div3A : f32 to vector<200x16xf32>
    %div3A_53 = arith.divf %convert_element_type3A, %div3A_52 : vector<200x16xf32>
    %jit3A_54 = arith.constant 0.000000e+00 : f32
    %jit3A_55 = arith.constant 1.440000e+03 : f32
    %max3A_56 = vector.broadcast %jit3A_54 : f32 to vector<200x16xf32>
    %max3A_57 = arith.maximumf %max3A_56, %div3A_53 : vector<200x16xf32>
    %min3A = vector.broadcast %jit3A_55 : f32 to vector<200x16xf32>
    %min3A_58 = arith.minimumf %min3A, %max3A_57 : vector<200x16xf32>
    %log1p3A = math.log1p %min3A_58 : vector<200x16xf32>
    %jit3A_59 = arith.constant 0.000000e+00 : f32
    %jit3A_60 = arith.constant 3.000000e+02 : f32
    %max3A_61 = vector.broadcast %jit3A_59 : f32 to vector<200x16xf32>
    %max3A_62 = arith.maximumf %max3A_61, %get3A_8 : vector<200x16xf32>
    %min3A_63 = vector.broadcast %jit3A_60 : f32 to vector<200x16xf32>
    %min3A_64 = arith.minimumf %min3A_63, %max3A_62 : vector<200x16xf32>
    %slice3A_65 = vector.extract_strided_slice %log1p3A {offsets = [0, 0], sizes = [200, 1], strides = [1, 1]} : vector<200x16xf32> to vector<200x1xf32>
    %slice3A_66 = vector.extract_strided_slice %min3A_64 {offsets = [0, 0], sizes = [200, 1], strides = [1, 1]} : vector<200x16xf32> to vector<200x1xf32>
    %slice3A_67 = vector.extract_strided_slice %log1p3A {offsets = [0, 1], sizes = [200, 1], strides = [1, 1]} : vector<200x16xf32> to vector<200x1xf32>
    %slice3A_68 = vector.extract_strided_slice %min3A_64 {offsets = [0, 1], sizes = [200, 1], strides = [1, 1]} : vector<200x16xf32> to vector<200x1xf32>
    %slice3A_69 = vector.extract_strided_slice %log1p3A {offsets = [0, 2], sizes = [200, 1], strides = [1, 1]} : vector<200x16xf32> to vector<200x1xf32>
    %slice3A_70 = vector.extract_strided_slice %min3A_64 {offsets = [0, 2], sizes = [200, 1], strides = [1, 1]} : vector<200x16xf32> to vector<200x1xf32>
    %slice3A_71 = vector.extract_strided_slice %log1p3A {offsets = [0, 3], sizes = [200, 1], strides = [1, 1]} : vector<200x16xf32> to vector<200x1xf32>
    %slice3A_72 = vector.extract_strided_slice %min3A_64 {offsets = [0, 3], sizes = [200, 1], strides = [1, 1]} : vector<200x16xf32> to vector<200x1xf32>
    %slice3A_73 = vector.extract_strided_slice %log1p3A {offsets = [0, 4], sizes = [200, 1], strides = [1, 1]} : vector<200x16xf32> to vector<200x1xf32>
    %slice3A_74 = vector.extract_strided_slice %min3A_64 {offsets = [0, 4], sizes = [200, 1], strides = [1, 1]} : vector<200x16xf32> to vector<200x1xf32>
    %slice3A_75 = vector.extract_strided_slice %log1p3A {offsets = [0, 5], sizes = [200, 1], strides = [1, 1]} : vector<200x16xf32> to vector<200x1xf32>
    %slice3A_76 = vector.extract_strided_slice %min3A_64 {offsets = [0, 5], sizes = [200, 1], strides = [1, 1]} : vector<200x16xf32> to vector<200x1xf32>
    %slice3A_77 = vector.extract_strided_slice %log1p3A {offsets = [0, 6], sizes = [200, 1], strides = [1, 1]} : vector<200x16xf32> to vector<200x1xf32>
    %slice3A_78 = vector.extract_strided_slice %min3A_64 {offsets = [0, 6], sizes = [200, 1], strides = [1, 1]} : vector<200x16xf32> to vector<200x1xf32>
    %slice3A_79 = vector.extract_strided_slice %log1p3A {offsets = [0, 7], sizes = [200, 1], strides = [1, 1]} : vector<200x16xf32> to vector<200x1xf32>
    %slice3A_80 = vector.extract_strided_slice %min3A_64 {offsets = [0, 7], sizes = [200, 1], strides = [1, 1]} : vector<200x16xf32> to vector<200x1xf32>
    %slice3A_81 = vector.extract_strided_slice %log1p3A {offsets = [0, 8], sizes = [200, 1], strides = [1, 1]} : vector<200x16xf32> to vector<200x1xf32>
    %slice3A_82 = vector.extract_strided_slice %min3A_64 {offsets = [0, 8], sizes = [200, 1], strides = [1, 1]} : vector<200x16xf32> to vector<200x1xf32>
    %slice3A_83 = vector.extract_strided_slice %log1p3A {offsets = [0, 9], sizes = [200, 1], strides = [1, 1]} : vector<200x16xf32> to vector<200x1xf32>
    %slice3A_84 = vector.extract_strided_slice %min3A_64 {offsets = [0, 9], sizes = [200, 1], strides = [1, 1]} : vector<200x16xf32> to vector<200x1xf32>
    %slice3A_85 = vector.extract_strided_slice %log1p3A {offsets = [0, 10], sizes = [200, 1], strides = [1, 1]} : vector<200x16xf32> to vector<200x1xf32>
    %slice3A_86 = vector.extract_strided_slice %min3A_64 {offsets = [0, 10], sizes = [200, 1], strides = [1, 1]} : vector<200x16xf32> to vector<200x1xf32>
    %slice3A_87 = vector.extract_strided_slice %log1p3A {offsets = [0, 11], sizes = [200, 1], strides = [1, 1]} : vector<200x16xf32> to vector<200x1xf32>
    %slice3A_88 = vector.extract_strided_slice %min3A_64 {offsets = [0, 11], sizes = [200, 1], strides = [1, 1]} : vector<200x16xf32> to vector<200x1xf32>
    %slice3A_89 = vector.extract_strided_slice %log1p3A {offsets = [0, 12], sizes = [200, 1], strides = [1, 1]} : vector<200x16xf32> to vector<200x1xf32>
    %slice3A_90 = vector.extract_strided_slice %min3A_64 {offsets = [0, 12], sizes = [200, 1], strides = [1, 1]} : vector<200x16xf32> to vector<200x1xf32>
    %slice3A_91 = vector.extract_strided_slice %log1p3A {offsets = [0, 13], sizes = [200, 1], strides = [1, 1]} : vector<200x16xf32> to vector<200x1xf32>
    %slice3A_92 = vector.extract_strided_slice %min3A_64 {offsets = [0, 13], sizes = [200, 1], strides = [1, 1]} : vector<200x16xf32> to vector<200x1xf32>
    %slice3A_93 = vector.extract_strided_slice %log1p3A {offsets = [0, 14], sizes = [200, 1], strides = [1, 1]} : vector<200x16xf32> to vector<200x1xf32>
    %slice3A_94 = vector.extract_strided_slice %min3A_64 {offsets = [0, 14], sizes = [200, 1], strides = [1, 1]} : vector<200x16xf32> to vector<200x1xf32>
    %slice3A_95 = vector.extract_strided_slice %log1p3A {offsets = [0, 15], sizes = [200, 1], strides = [1, 1]} : vector<200x16xf32> to vector<200x1xf32>
    %slice3A_96 = vector.extract_strided_slice %min3A_64 {offsets = [0, 15], sizes = [200, 1], strides = [1, 1]} : vector<200x16xf32> to vector<200x1xf32>
    %concatenate3A_97 = tpu.concatenate %slice3A_65, %slice3A_67, %slice3A_69, %slice3A_71, %slice3A_73, %slice3A_75, %slice3A_77, %slice3A_79, %slice3A_81, %slice3A_83, %slice3A_85, %slice3A_87, %slice3A_89, %slice3A_91, %slice3A_93, %slice3A_95 in 0 : vector<200x1xf32>, vector<200x1xf32>, vector<200x1xf32>, vector<200x1xf32>, vector<200x1xf32>, vector<200x1xf32>, vector<200x1xf32>, vector<200x1xf32>, vector<200x1xf32>, vector<200x1xf32>, vector<200x1xf32>, vector<200x1xf32>, vector<200x1xf32>, vector<200x1xf32>, vector<200x1xf32>, vector<200x1xf32> -> vector<3200x1xf32>
    %concatenate3A_98 = tpu.concatenate %slice3A_66, %slice3A_68, %slice3A_70, %slice3A_72, %slice3A_74, %slice3A_76, %slice3A_78, %slice3A_80, %slice3A_82, %slice3A_84, %slice3A_86, %slice3A_88, %slice3A_90, %slice3A_92, %slice3A_94, %slice3A_96 in 0 : vector<200x1xf32>, vector<200x1xf32>, vector<200x1xf32>, vector<200x1xf32>, vector<200x1xf32>, vector<200x1xf32>, vector<200x1xf32>, vector<200x1xf32>, vector<200x1xf32>, vector<200x1xf32>, vector<200x1xf32>, vector<200x1xf32>, vector<200x1xf32>, vector<200x1xf32>, vector<200x1xf32>, vector<200x1xf32> -> vector<3200x1xf32>
    %get3A_99 = arith.constant 0 : index
    %get3A_100 = arith.constant 0 : index
    %get3A_101 = vector.load %arg6[%get3A_99, %get3A_100] : memref<8x128xf32, #tpu.memory_space<vmem>>, vector<8x128xf32>
    %get3A_102 = arith.constant 0 : index
    %get3A_103 = arith.constant 0 : index
    %get3A_104 = vector.load %arg1[%get3A_102, %get3A_103] : memref<3200x128xf32, #tpu.memory_space<vmem>>, vector<3200x128xf32>
    %slice3A_105 = vector.extract_strided_slice %get3A_104 {offsets = [0, 0], sizes = [3200, 64], strides = [1, 1]} : vector<3200x128xf32> to vector<3200x64xf32>
    %get3A_106 = arith.constant 0 : index
    %get3A_107 = arith.constant 0 : index
    %get3A_108 = vector.load %arg5[%get3A_106, %get3A_107] : memref<64x128xf32, #tpu.memory_space<vmem>>, vector<64x128xf32>
    %dot_general3A = arith.constant dense<0.000000e+00> : vector<3200x128xf32>
    %dot_general3A_109 = tpu.matmul %slice3A_105, %get3A_108, %dot_general3A {dimension_numbers = #tpu.dot_dimension_numbers<[1], [0], [0], [1], [0, 0, 1, 1], [], []>, transpose_lhs_hint = false} : vector<3200x64xf32>, vector<64x128xf32>, vector<3200x128xf32> -> vector<3200x128xf32>
    %get3A_110 = arith.constant 0 : index
    %get3A_111 = arith.constant 0 : index
    %get3A_112 = vector.load %arg2[%get3A_110, %get3A_111] : memref<3200x128xf32, #tpu.memory_space<vmem>>, vector<3200x128xf32>
    %add3A = arith.addf %dot_general3A_109, %get3A_112 : vector<3200x128xf32>
    %slice3A_113 = vector.extract_strided_slice %get3A_101 {offsets = [0, 0], sizes = [1, 128], strides = [1, 1]} : vector<8x128xf32> to vector<1x128xf32>
    %mul3A = vector.broadcast %concatenate3A_97 : vector<3200x1xf32> to vector<3200x128xf32>
    %mul3A_114 = vector.broadcast %slice3A_113 : vector<1x128xf32> to vector<3200x128xf32>
    %mul3A_115 = arith.mulf %mul3A, %mul3A_114 : vector<3200x128xf32>
    %add3A_116 = arith.addf %add3A, %mul3A_115 : vector<3200x128xf32>
    %slice3A_117 = vector.extract_strided_slice %get3A_101 {offsets = [1, 0], sizes = [1, 128], strides = [1, 1]} : vector<8x128xf32> to vector<1x128xf32>
    %mul3A_118 = vector.broadcast %concatenate3A_98 : vector<3200x1xf32> to vector<3200x128xf32>
    %mul3A_119 = vector.broadcast %slice3A_117 : vector<1x128xf32> to vector<3200x128xf32>
    %mul3A_120 = arith.mulf %mul3A_118, %mul3A_119 : vector<3200x128xf32>
    %add3A_121 = arith.addf %add3A_116, %mul3A_120 : vector<3200x128xf32>
    %slice3A_122 = vector.extract_strided_slice %get3A_101 {offsets = [2, 0], sizes = [1, 128], strides = [1, 1]} : vector<8x128xf32> to vector<1x128xf32>
    %add3A_123 = vector.broadcast %slice3A_122 : vector<1x128xf32> to vector<3200x128xf32>
    %add3A_124 = arith.addf %add3A_121, %add3A_123 : vector<3200x128xf32>
    %reduce_sum3A = arith.constant dense<0.000000e+00> : vector<3200xf32>
    %reduce_sum3A_125 = vector.multi_reduction <add>, %add3A_124, %reduce_sum3A [1] : vector<3200x128xf32> to vector<3200xf32>
    %broadcast_in_dim3A_126 = vector.shape_cast %reduce_sum3A_125 : vector<3200xf32> to vector<3200x1xf32>
    %div3A_127 = arith.constant 1.280000e+02 : f32
    %div3A_128 = vector.broadcast %div3A_127 : f32 to vector<3200x1xf32>
    %div3A_129 = arith.divf %broadcast_in_dim3A_126, %div3A_128 : vector<3200x1xf32>
    %sub3A_130 = vector.broadcast %div3A_129 : vector<3200x1xf32> to vector<3200x128xf32>
    %sub3A_131 = arith.subf %add3A_124, %sub3A_130 : vector<3200x128xf32>
    %mul3A_132 = arith.mulf %sub3A_131, %sub3A_131 : vector<3200x128xf32>
    %reduce_sum3A_133 = arith.constant dense<0.000000e+00> : vector<3200xf32>
    %reduce_sum3A_134 = vector.multi_reduction <add>, %mul3A_132, %reduce_sum3A_133 [1] : vector<3200x128xf32> to vector<3200xf32>
    %broadcast_in_dim3A_135 = vector.shape_cast %reduce_sum3A_134 : vector<3200xf32> to vector<3200x1xf32>
    %div3A_136 = arith.constant 1.280000e+02 : f32
    %div3A_137 = vector.broadcast %div3A_136 : f32 to vector<3200x1xf32>
    %div3A_138 = arith.divf %broadcast_in_dim3A_135, %div3A_137 : vector<3200x1xf32>
    %add3A_139 = arith.constant 9.99999996E-13 : f32
    %add3A_140 = vector.broadcast %add3A_139 : f32 to vector<3200x1xf32>
    %add3A_141 = arith.addf %div3A_138, %add3A_140 : vector<3200x1xf32>
    %rsqrt3A = math.rsqrt %add3A_141 : vector<3200x1xf32>
    %mul3A_142 = vector.broadcast %rsqrt3A : vector<3200x1xf32> to vector<3200x128xf32>
    %mul3A_143 = arith.mulf %sub3A_131, %mul3A_142 : vector<3200x128xf32>
    %slice3A_144 = vector.extract_strided_slice %get3A_101 {offsets = [3, 0], sizes = [1, 128], strides = [1, 1]} : vector<8x128xf32> to vector<1x128xf32>
    %mul3A_145 = vector.broadcast %slice3A_144 : vector<1x128xf32> to vector<3200x128xf32>
    %mul3A_146 = arith.mulf %mul3A_143, %mul3A_145 : vector<3200x128xf32>
    %slice3A_147 = vector.extract_strided_slice %get3A_101 {offsets = [4, 0], sizes = [1, 128], strides = [1, 1]} : vector<8x128xf32> to vector<1x128xf32>
    %add3A_148 = vector.broadcast %slice3A_147 : vector<1x128xf32> to vector<3200x128xf32>
    %add3A_149 = arith.addf %mul3A_146, %add3A_148 : vector<3200x128xf32>
    %swap3A = arith.constant 0 : index
    %swap3A_150 = arith.constant 0 : index
    %swap3A_151 = vector.load %arg7[%swap3A, %swap3A_150] : memref<3200x128xf32, #tpu.memory_space<vmem>>, vector<3200x128xf32>
    tpu.vector_store %arg7[%swap3A, %swap3A_150], %add3A_149 {strides = array<i32>} : memref<3200x128xf32, #tpu.memory_space<vmem>>, vector<3200x128xf32>,
    return
  }
  func.func @transform_0(%arg0: i32) -> (i32, i32) {
    %c0_i32 = arith.constant 0 : i32
    %c0_i32_0 = arith.constant 0 : i32
    return %arg0, %c0_i32 : i32, i32
  }
  func.func @transform_1(%arg0: i32) -> (i32, i32) {
    %c0_i32 = arith.constant 0 : i32
    %c0_i32_0 = arith.constant 0 : i32
    return %arg0, %c0_i32 : i32, i32
  }
  func.func @transform_2(%arg0: i32) -> (i32, i32, i32) {
    %c0_i32 = arith.constant 0 : i32
    %c0_i32_0 = arith.constant 0 : i32
    %c0_i32_1 = arith.constant 0 : i32
    return %arg0, %c0_i32, %c0_i32_0 : i32, i32, i32
  }
  func.func @transform_3(%arg0: i32) -> (i32, i32, i32) {
    %c0_i32 = arith.constant 0 : i32
    %c0_i32_0 = arith.constant 0 : i32
    %c0_i32_1 = arith.constant 0 : i32
    return %arg0, %c0_i32, %c0_i32_0 : i32, i32, i32
  }
  func.func @transform_4(%arg0: i32) -> (i32, i32) {
    %c0_i32 = arith.constant 0 : i32
    %c0_i32_0 = arith.constant 0 : i32
    %c0_i32_1 = arith.constant 0 : i32
    return %c0_i32, %c0_i32_0 : i32, i32
  }
  func.func @transform_5(%arg0: i32) -> (i32, i32) {
    %c0_i32 = arith.constant 0 : i32
    %c0_i32_0 = arith.constant 0 : i32
    %c0_i32_1 = arith.constant 0 : i32
    return %c0_i32, %c0_i32_0 : i32, i32
  }
  func.func @transform_6(%arg0: i32) -> (i32, i32) {
    %c0_i32 = arith.constant 0 : i32
    %c0_i32_0 = arith.constant 0 : i32
    return %arg0, %c0_i32 : i32, i32
  }
}

</mosaic_0001>

<sc_bundles>
// kernel: kernel.6.cloned.1.call-start
scs
__scs_entry_jumppad:
0x0: {  	(pc) =	sbr.rel $0x88, $3  }
0x1: {  	(tag) =	ssettag $0x0;
	lr =	simm.s32 $0x1  }
0x2: {  	[smem:$0x3F8D] =	sst lr;
	_ =	strace $0xD0000000  }
0x3: {  	_ = 	snop  }
0x4: {  	_ = 	snop  }
0x5: {  	_ = 	snop  }
0x6: {  	_ = 	snop  }
0x7: {  	_ = 	snop  }
__scs_overlays_trampoline_lowered:
0x8: {  	[smem:$0x3F9C] =	sst s0  }
0x9: {  	[smem:$0x3F9D] =	sst s1  }
0xa: {  	[smem:$0x3F9E] =	sst s2  }
0xb: {  	[smem:$0x3F9F] =	sst s3  }
0xc: {  	[smem:$0x3FA0] =	sst s4  }
0xd: {  	[smem:$0x3FA1] =	sst s5  }
0xe: {  	[smem:$0x3FA2] =	sst s6  }
0xf: {  	[smem:$0x3FA3] =	sst s7  }
0x10: {  	[smem:$0x3FA4] =	sst s8  }
0x11: {  	[smem:$0x3FA5] =	sst s9;
	s0 =	simm.s32 @!p0 $0x0  }
0x12: {  	s1 =	sld [smem:$0x3F8B];
	s0 =	simm.s32 @p0 $0x1  }
0x13: {  	[smem:$0x3FA6] =	sst s0;
	s0 =	simm.s32 @!p1 $0x0  }
0x14: {  	s2 =	sld [smem:$0x3F8A];
	s0 =	simm.s32 @p1 $0x1  }
0x15: {  	[smem:$0x3FA7] =	sst s0;
	s0 =	simm.s32 @!p2 $0x0  }
0x16: {  	s3 =	sld [smem:$0x3FDB];
	s0 =	simm.s32 @p2 $0x1  }
0x17: {  	s4 =	simm.s32 $0x1BF5;
	[smem:$0x3FA9] =	sst s0  }
0x18: {  	s0 =	sld [smem:$0x3F8C];
	_ =	swait.ge [sflag:s4], $0x0  }
0x19: {  	s7 =	sld [smem:$0x3F8D]  }
0x1a: {  	s8 =	sadd.s32 $0xFFFFE003, lr  }
0x1b: {  	s9 =	sadd.s32 $0xFFFFFEF7, lr;
	s5 =	simm.s32 $0xFFFFFFFF;
	p2 =	slt.u32 s8, $0xFFFFF086  }
0x1c: {  	p1 =	slt.u32 s9, $0xF7A;
	s5 =	simm.s32 @!p2 $0x0  }
0x1d: {  	s5 =	simm.s32 @p1 $0x1;
	p0 =	seq.s32 s7, s2  }
0x1e: {  	s7 =	smul.u32 @!p0 $0xF7A, s2;
	p2 =	seq.s32 @!p0 s5, $0x0  }
0x1f: {  	s9 =	smul.u32 $0xF7A, s1;
	s8 =	simm.s32 @!p0 $0x1BF5;
	p2 =	por !p2, p0  }
0x20: {  	[sflag:s8] =	ssyncset.s32 @!p0 $0xFFFFF086;
	s6 =	sadd.s32 @!p0 s3, s7;
	s7 =	simm.s32 @!p0 $0x108  }
0x21: {  	s3 =	sadd.s32 s3, s9;
	s6 =	sadd.s32 @!p0 $0x88, s6;
	s7 =	simm.s32 @p2 $0x1082  }
0x22: {  	[simem:s7], [sflag:s8] =	dma.local @!p0 [hbm:s6], $0xF7A  }
0x23: {  	s9 =	sor.u32 $0xD0000000, s2;
	s6 =	simm.s32 $0x108;
	_ =	swait.ge @!p0 [sflag:s8], $0x0  }
0x24: {  	s3 =	sadd.s32 $0x88, s3;
	s6 =	simm.s32 @!p1 $0x1082;
	[sflag:s4] =	ssyncset.s32 $0xFFFFF086  }
0x25: {  	[simem:s6], [sflag:s4] =	dma.local [hbm:s3], $0xF7A  }
0x26: {  	[smem:$0x3F8D] =	sst s1;
	(tag) =	ssettag s2;
	_ =	strace s9  }
0x27: {  	s1 =	sld [smem:$0x3F9D]  }
0x28: {  	s2 =	sld [smem:$0x3F9E]  }
0x29: {  	s4 =	sld [smem:$0x3FA0]  }
0x2a: {  	p0 =	seq.s32 s5, $0x0;
	s5 =	sld [smem:$0x3FA1]  }
0x2b: {  	s6 =	sld [smem:$0x3FA2]  }
0x2c: {  	s7 =	sld [smem:$0x3FA3]  }
0x2d: {  	s3 =	simm.s32 $0x108;
	s8 =	sld [smem:$0x3FA4]  }
0x2e: {  	s3 =	simm.s32 @!p0 $0x1082;
	s9 =	sld [smem:$0x3FA5]  }
0x2f: {  	lr =	sadd.s32 s0, s3;
	s0 =	sld [smem:$0x3F9C]  }
0x30: {  	s3 =	sld [smem:$0x3F9F]  }
0x31: {  	[smem:$0x3FA8] =	sst s10  }
0x32: {  	s10 =	sld [smem:$0x3FA6];
	_ =	sdelay $0x3  }
0x33: {  	p0 =	seq.s32 s10, $0x1;
	s10 =	sld [smem:$0x3FA8];
	_ =	sdelay $0x3  }
0x34: {  	[smem:$0x3FA8] =	sst s10  }
0x35: {  	s10 =	sld [smem:$0x3FA7];
	_ =	sdelay $0x3  }
0x36: {  	p1 =	seq.s32 s10, $0x1;
	s10 =	sld [smem:$0x3FA8];
	_ =	sdelay $0x3  }
0x37: {  	[smem:$0x3FA8] =	sst s10  }
0x38: {  	s10 =	sld [smem:$0x3FA9]  }
0x39: {  	_ = 	snop;
	(pc) =	sbr.ind lr, $3  }
0x3a: {  	_ = 	snop  }
0x3b: {  	_ = 	snop  }
0x3c: {  	p2 =	seq.s32 s10, $0x1;
	s10 =	sld [smem:$0x3FA8]  }
0x3d: {  	_ =	shalt  }
0x3e: {  	_ =	shalt  }
0x3f: {  	_ =	shalt  }
0x40: {  	_ =	shalt  }
0x41: {  	_ =	shalt  }
0x42: {  	_ =	shalt  }
0x43: {  	_ =	shalt  }
0x44: {  	_ =	shalt  }
0x45: {  	_ =	shalt  }
0x46: {  	_ =	shalt  }
0x47: {  	_ =	shalt  }
0x48: {  	_ =	shalt  }
0x49: {  	_ =	shalt  }
0x4a: {  	_ =	shalt  }
0x4b: {  	_ =	shalt  }
0x4c: {  	_ =	shalt  }
0x4d: {  	_ =	shalt  }
0x4e: {  	_ =	shalt  }
0x4f: {  	_ =	shalt  }
0x50: {  	_ =	shalt  }
0x51: {  	_ =	shalt  }
0x52: {  	_ =	shalt  }
0x53: {  	_ =	shalt  }
0x54: {  	_ =	shalt  }
0x55: {  	_ =	shalt  }
0x56: {  	_ =	shalt  }
0x57: {  	_ =	shalt  }
0x58: {  	_ =	shalt  }
0x59: {  	_ =	shalt  }
0x5a: {  	_ =	shalt  }
0x5b: {  	_ =	shalt  }
0x5c: {  	_ =	shalt  }
0x5d: {  	_ =	shalt  }
0x5e: {  	_ =	shalt  }
0x5f: {  	_ =	shalt  }
0x60: {  	_ =	shalt  }
0x61: {  	_ =	shalt  }
0x62: {  	_ =	shalt  }
0x63: {  	_ =	shalt  }
0x64: {  	_ =	shalt  }
0x65: {  	_ =	shalt  }
0x66: {  	_ =	shalt  }
0x67: {  	_ =	shalt  }
0x68: {  	_ =	shalt  }
0x69: {  	_ =	shalt  }
0x6a: {  	_ =	shalt  }
0x6b: {  	_ =	shalt  }
0x6c: {  	_ =	shalt  }
0x6d: {  	_ =	shalt  }
0x6e: {  	_ =	shalt  }
0x6f: {  	_ =	shalt  }
0x70: {  	_ =	shalt  }
0x71: {  	_ =	shalt  }
0x72: {  	_ =	shalt  }
0x73: {  	_ =	shalt  }
0x74: {  	_ =	shalt  }
0x75: {  	_ =	shalt  }
0x76: {  	_ =	shalt  }
0x77: {  	_ =	shalt  }
0x78: {  	_ =	shalt  }
0x79: {  	_ =	shalt  }
0x7a: {  	_ =	shalt  }
0x7b: {  	_ =	shalt  }
0x7c: {  	_ =	shalt  }
0x7d: {  	_ =	shalt  }
0x7e: {  	_ =	shalt  }
0x7f: {  	_ =	shalt  }
0x80: {  	_ =	shalt  }
0x81: {  	_ =	shalt  }
0x82: {  	_ =	shalt  }
0x83: {  	_ =	shalt  }
0x84: {  	_ =	shalt  }
0x85: {  	_ =	shalt  }
0x86: {  	_ =	shalt  }
0x87: {  	_ =	shalt  }
.Lfunc_end0:
.L_simem_size_0:
called_computation_lowered:
.L_overlay_start_0:
0x88: {  	s2 =	sld [smem:$0x3FD9]  }
0x89: {  	s3 =	sld [smem:$0x3FFE];
	_ =	sdelay $0x1  }
0x8a: {  	s1 =	srdreg.scid  }
0x8b: {  	s0 =	sand.u32 $0x1, s1  }
0x8c: {  	s16 =	sshll.u32 s0, $0xA;
	s2 =	sadd.s32 s3, s2  }
0x8d: {  	s2 =	sadd.s32 s2, s16  }
0x8e: {  	[smem:$0x3FB4] =	sst s2  }
0x8f: {  	_ = 	snop  }
0x90: {  	(tm) =	ssettm $0x1  }
0x91: {  	s17 =	sld [smem:$0x3FFB];
	_ =	sdelay $0x3  }
0x92: {  	_ =	strace s17  }
0x93: {  	s2 =	sld [smem:$0x3FFC];
	_ =	sdelay $0x3  }
0x94: {  	_ =	strace s2  }
0x95: {  	s2 =	sld [smem:$0x3FFD];
	_ =	sdelay $0x3  }
0x96: {  	_ =	strace s2  }
0x97: {  	_ =	strace $0x8FFFFFFF  }
0x98: {  	s18 =	sld [smem:$0x3FDB];
	_ =	sdelay $0x1  }
0x99: {  	s19 =	simm.s32 $_scs_section_size  }
0x9a: {  	s4 =	simm.s32 $_size__tile_overlayer_lowered;
	s5 =	simm.s32 $_tile_overlayer_lowered  }
0x9b: {  	s22 =	simm.s32 $0x1BFF;
	s21 =	sshll.u32 s5, $0x1;
	s2 =	sadd.s32 s19, s18  }
0x9c: {  	s6 =	simm.s32 $0x0;
	s20 =	sshll.u32 s4, $0x1;
	s4 =	sadd.s32 s21, s2  }
0x9d: {  	[timem:s6], [sflag:s22] =	dma.local [hbm:s4], s20  }
0x9e: {  	_ =	swait.ge [sflag:s22], s20  }
0x9f: {  	s3 =	ssub.s32 $0x0, s20;
	[sflag:s22] =	ssyncset.done $0x0  }
0xa0: {  	[sflag:s22] =	ssyncadd.s32 s3;
	_ =	sdelay $0x1  }
0xa1: {  	s23 =	simm.s32 $0x1B8B  }
0xa2: {  	_ =	swait.ge [sflag:s23], $0x1  }
0xa3: {  	[sflag:s23] =	ssyncset.done $0x0  }
0xa4: {  	s25 =	simm.s32 $0x1B8E;
	s24 =	sld [smem:$0x3FFE];
	[sflag:s23] =	ssyncadd.s32 $0xFFFFFFFF  }
0xa5: {  	s26 =	simm.s32 $execute0_lowered;
	[smem:$0x3FD2] =	sst s25  }
0xa6: {  	s4 =	sshll.u32 s26, $0x1;
	_ =	strace $0x80000046;
	[dreg:$0x1] =	wrdreg $0xFFFFFFFF  }
0xa7: {  	s28 =	simm.s32 $_size_execute0_lowered;
	s2 =	sadd.s32 s2, s4;
	[dreg:$0x0] =	wrdreg $0x0  }
0xa8: {  	s4 =	sshll.u32 s28, $0x1;
	[dreg:$0x2] =	wrdreg s2  }
0xa9: {  	[dreg:$0x3] =	wrdreg s4  }
0xaa: {  	[dreg:$0x4] =	wrdreg $0xC0  }
0xab: {  	_ =	task [dreg:s6], $0x5FFFF  }
0xac: {  	[dreg:$0x1] =	wrdreg $0xFFFFFFFF  }
0xad: {  	[dreg:$0x0] =	wrdreg $0x60  }
0xae: {  	[dreg:$0x2] =	wrdreg s24  }
0xaf: {  	[dreg:$0x3] =	wrdreg $0x9  }
0xb0: {  	_ =	task.clear_ibuf [dreg:s6], $0x4FFFF;
	_ =	strace $0x90000046  }
0xb1: {  	s29 =	simm.s32 $0x9;
	_ =	strace $0x80000048  }
0xb2: {  	_ =	swait.ge [sflag:s29], $0x1  }
0xb3: {  	[sflag:s29] =	ssyncadd.s32 $0xFFFFFFFF  }
0xb4: {  	_ =	strace $0x90000048  }
0xb5: {  	_ =	sfence  }
0xb6: {  	s30 =	sld [smem:$0x0];
	_ =	sdelay $0x2  }
0xb7: {  	s31 =	sshll.u32 s1, $0xD;
	s1 =	sshrl.u32 s1, $0x2  }
0xb8: {  	s3 =	sand.u32 $0x4000, s31;
	s1 =	sadd.s32 s1, s30  }
0xb9: {  	s0 =	sor.u32 s3, s0;
	s1 =	sshll.u32 s1, $0x11  }
0xba: {  	s0 =	sor.u32 s1, s0  }
0xbb: {  	s0 =	sadd.s32 $0x8F2B, s0  }
0xbc: {  	[sflag:s0] =	ssyncadd.remote.s32 $0x1  }
0xbd: {  	_ =	sfence.sel $0xFFFF  }
0xbe: {  	[dreg:$0x0] =	wrdreg $0xFFFFFFFF;
	(pc) =	sbr.abs _section_cstart, $3  }
0xbf: {  	[dreg:$0x1] =	wrdreg $0xFFFFFFFF  }
0xc0: {  	_ =	task.clear_ibuf [dreg:s6], $0x2FFFF;
	_ =	strace $0x9FFFFFFF  }
0xc1: {  	(tm) =	ssettm $0x7FFFFFFF  }
tec
execute0_lowered:
.L_overlay_start_1:
0x0: {  	(tag) =	ssettag $0x1  }
0x1: {  	s1 =	srdreg.scid;
	s0 =	stileid.u32  }
0x2: {  	s4 =	rddreg [dreg:$0x0];
	s2 =	simm.s32 $0x0;
	s14 =	simm.s32 $0x1  }
0x3: {  	s15 =	simm.s32 $0x40;
	s16 =	simm.s32 $0x2;
	s10 =	smul.u32 $0x190000, s0  }
0x4: {  	s17 =	simm.s32 $0x1880;
	s6 =	sand.u32 $0x1, s1;
	s12 =	smul.u32 $0x3200, s0  }
0x5: {  	s18 =	simm.s32 $0x0;
	s3 =	sshll.u32 s0, $0x1;
	s13 =	smul.u32 $0x1900, s6  }
0x6: {  	s1 =	rddreg [dreg:$0x1];
	s7 =	sor.u32 s6, s3;
	s28 =	smul.u32 $0xC8000, s6  }
0x7: {  	[smem:$0x7FF] =	sst s2;
	s11 =	sadd.s32 $0x9400, s4;
	s5 =	smul.u32 $0x1900, s7  }
0x8: {  	_ =	strace $0x80000047;
	s9 =	ssub.s32 $0x2, s6;
	s8 =	smul.u32 $0xC8000, s7  }
0x9: {  	s3 =	sadd.s32 $0xF45400, s4;
	s26 =	sshrl.u32 s9, $0x1;
	s7 =	smul.u32 $0x19000, s7  }
0xa: {  	s9 =	ssub.s32 s9, s26;
	s30 =	sadd.s32 s13, s12;
	s12 =	simm.s32 $0x80  }
0xb: {  	s13 =	simm.s32 $0x3900;
	s5 =	sshrl.u32 s5, $0x3;
	s8 =	sshrl.u32 s8, $0x3  }
0xc: {  	s7 =	sadd.s32 s11, s7;
	s5 =	sadd.s32 s5, s4;
	s29 =	sadd.s32 s11, s8  }
0xd: {  	s8 =	sshll.u32 s30, $0x4;
	s7 =	sadd.s32 $0x18800, s7;
	s4 =	sadd.s32 $0x3000, s5  }
0xe: {  	s5 =	smax.u32 s9, $0x1;
	s6 =	sadd.s32 $0x18000, s29;
	s9 =	sadd.s32 s28, s10  }
0xf: {  	s31 =	sadd.s32 s8, s11;
	s10 =	simm.s32 $0x3;
	s9 =	sshrl.u32 s9, $0x3  }
0x10: {  	s8 =	sadd.s32 s9, s11;
	s9 =	sadd.s32 $0x800, s31;
	s11 =	simm.s32 $0x1900  }
.LBB2_1:
0x11: {  	[tilespmem:s2], [sflag:$0x3] =	stream.linear.gather [hbm4b:s4+s2], $0x1900, $0x38;
	[tilespmem:$0x5900] =	vst v63  }
0x12: {  	_ =	swait.ge [sflag:s10], $0x1900  }
0x13: {  	[sflag:s10] =	ssyncset.done $0x0  }
0x14: {  	[sflag:s10] =	ssyncadd.s32 $0xFFFFE700  }
0x15: {  	[tilespmem:s11], [sflag:$0x1] =	stream.indirect.gather [hbm4b:s3+s12], $0x40, s2, s12, $0xb8;
	[tilespmem:$0x5900] =	vst v63  }
0x16: {  	_ = 	snop  }
0x17: {  	[tilespmem:s13], [sflag:$0x2] =	stream.indirect.gather [hbm4b:s3+s12], $0x40, s12, s12, $0xb8;
	[tilespmem:$0x5900] =	vst v63  }
0x18: {  	_ =	swait.ge [sflag:s14], $0x2000  }
0x19: {  	[sflag:s14] =	ssyncset.done $0x0  }
0x1a: {  	s19 =	sadd.s32 $0x0, s8;
	[sflag:s14] =	ssyncadd.s32 $0xFFFFE000  }
0x1b: {  	[hbm4b:s19+s15] =	stream.strided.scatter [tilespmem:s11], [sflag:$0x3], $0x2000, s12, s15, $0x38;
	[tilespmem:$0x5900] =	vst v63  }
0x1c: {  	_ =	swait.ge [sflag:s10], $0x2000  }
0x1d: {  	[sflag:s10] =	ssyncset.done $0x0  }
0x1e: {  	s30 =	simm.s32 $0x100;
	[sflag:s10] =	ssyncadd.s32 $0xFFFFE000  }
0x1f: {  	[tilespmem:s11], [sflag:$0x1] =	stream.indirect.gather [hbm4b:s3+s12], $0x40, s30, s12, $0xb8;
	[tilespmem:$0x5900] =	vst v63  }
0x20: {  	_ =	swait.ge [sflag:s16], $0x2000  }
0x21: {  	[sflag:s16] =	ssyncset.done $0x0  }
0x22: {  	s31 =	sadd.s32 $0x0, s9;
	[sflag:s16] =	ssyncadd.s32 $0xFFFFE000  }
0x23: {  	[hbm4b:s31+s15] =	stream.strided.scatter [tilespmem:s13], [sflag:$0x3], $0x2000, s12, s15, $0x38;
	[tilespmem:$0x5900] =	vst v63  }
0x24: {  	_ =	swait.ge [sflag:s10], $0x2000  }
0x25: {  	s20 =	simm.s32 $0x80;
	s19 =	simm.s32 $0x1000;
	[sflag:s10] =	ssyncset.done $0x0  }
.LBB2_2:
0x26: {  	p0 =	sne.s32 s19, $0x17000;
	[sflag:s10] =	ssyncadd.s32 $0xFFFFE000;
	s20 =	sadd.s32 $0x100, s20  }
0x27: {  	[tilespmem:s13], [sflag:$0x2] =	stream.indirect.gather [hbm4b:s3+s12], $0x40, s20, s12, $0xb8;
	[tilespmem:$0x5900] =	vst v63  }
0x28: {  	s21 =	smov.u32 s19;
	s19 =	sadd.s32 $0x1000, s19;
	_ =	swait.ge [sflag:s14], $0x2000  }
0x29: {  	[sflag:s14] =	ssyncset.done $0x0  }
0x2a: {  	s22 =	sadd.s32 s21, s8;
	[sflag:s14] =	ssyncadd.s32 $0xFFFFE000  }
0x2b: {  	[hbm4b:s22+s15] =	stream.strided.scatter [tilespmem:s11], [sflag:$0x3], $0x2000, s12, s15, $0x38;
	[tilespmem:$0x5900] =	vst v63  }
0x2c: {  	_ =	swait.ge [sflag:s10], $0x2000  }
0x2d: {  	[sflag:s10] =	ssyncset.done $0x0  }
0x2e: {  	s22 =	sadd.s32 $0x80, s20;
	[sflag:s10] =	ssyncadd.s32 $0xFFFFE000  }
0x2f: {  	[tilespmem:s11], [sflag:$0x1] =	stream.indirect.gather [hbm4b:s3+s12], $0x40, s22, s12, $0xb8;
	[tilespmem:$0x5900] =	vst v63  }
0x30: {  	_ =	swait.ge [sflag:s16], $0x2000  }
.Ltmp0:
0x31: {  	[sflag:s16] =	ssyncset.done $0x0;
	(pc) =	sbr.rel @p0 .LBB2_2-.Ltmp0, $4  }
0x32: {  	s21 =	sadd.s32 s21, s9;
	[sflag:s16] =	ssyncadd.s32 $0xFFFFE000  }
0x33: {  	[hbm4b:s21+s15] =	stream.strided.scatter [tilespmem:s13], [sflag:$0x3], $0x2000, s12, s15, $0x38;
	[tilespmem:$0x5900] =	vst v63  }
0x34: {  	_ =	swait.ge [sflag:s10], $0x2000  }
0x35: {  	[sflag:s10] =	ssyncset.done $0x0  }
0x36: {  	[sflag:s10] =	ssyncadd.s32 $0xFFFFE000  }
0x37: {  	[tilespmem:s13], [sflag:$0x2] =	stream.indirect.gather [hbm4b:s3+s12], $0x40, s17, s12, $0xb8;
	[tilespmem:$0x5900] =	vst v63  }
0x38: {  	_ =	swait.ge [sflag:s14], $0x2000  }
0x39: {  	[sflag:s14] =	ssyncset.done $0x0  }
0x3a: {  	[sflag:s14] =	ssyncadd.s32 $0xFFFFE000  }
0x3b: {  	[hbm4b:s6+s15] =	stream.strided.scatter [tilespmem:s11], [sflag:$0x3], $0x2000, s12, s15, $0x38;
	[tilespmem:$0x5900] =	vst v63  }
0x3c: {  	_ =	swait.ge [sflag:s10], $0x2000  }
0x3d: {  	[sflag:s10] =	ssyncset.done $0x0  }
0x3e: {  	[sflag:s10] =	ssyncadd.s32 $0xFFFFE000  }
0x3f: {  	s18 =	sadd.s32 $0x1, s18;
	_ =	swait.ge [sflag:s16], $0x2000  }
0x40: {  	p0 =	sne.s32 s18, s5;
	[sflag:s16] =	ssyncset.done $0x0  }
.Ltmp1:
0x41: {  	[sflag:s16] =	ssyncadd.s32 $0xFFFFE000;
	(pc) =	sbr.rel @p0 .LBB2_1-.Ltmp1, $4  }
0x42: {  	[hbm4b:s7+s15] =	stream.strided.scatter [tilespmem:s13], [sflag:$0x3], $0x2000, s12, s15, $0x38;
	[tilespmem:$0x5900] =	vst v63  }
0x43: {  	_ =	swait.ge [sflag:s10], $0x2000  }
0x44: {  	[sflag:s10] =	ssyncset.done $0x0  }
0x45: {  	[sflag:s10] =	ssyncadd.s32 $0xFFFFE000  }
0x46: {  	_ =	sfence.sel $0x180000  }
0x47: {  	[bflag:$0x0] =	sbarrier.arrive $0xFFFF  }
0x48: {  	p0 =	sne.s32 s0, $0x0;
	_ =	strace $0x90000047  }
0x49: {  	s0 =	sadd.s32 @!p0 $0x100000, s1;
	[bflag:$0x2] =	sbarrier.arrive $0xFFFF  }
0x4a: {  	[sflag:s0] =	ssyncadd.tile.s32 @!p0 $0x1;
	_ =	shalt  }
.Lfunc_end2:
_tile_overlayer_lowered:
.L_overlay_start_2:
0x4b: {  	(tag) =	ssettag $0x2  }
0x4c: {  	s0 =	rddreg [dreg:$0x0];
	s2 =	stileid.u32  }
0x4d: {  	s1 =	rddreg [dreg:$0x1];
	p0 =	sne.s32 s2, $0x0  }
0x4e: {  	s3 =	rddreg [dreg:$0x2];
	[bflag:$0x3] =	sbarrier.arrive $0xFFFF;
	s2 =	simm.s32 @!p0 $0x1C03  }
0x4f: {  	[timem:s3], [sflag:s2] =	dma.local @!p0 [hbm:s0], s1  }
0x50: {  	s0 =	simm.s32 @!p0 $0x3  }
0x51: {  	_ =	swait.ge @!p0 [sflag:s0], s1  }
0x52: {  	s1 =	ssub.s32 @!p0 $0x0, s1;
	[sflag:s0] =	ssyncset.done @!p0 $0x0  }
0x53: {  	[sflag:s0] =	ssyncadd.s32 @!p0 s1  }
0x54: {  	[bflag:$0x3] =	sbarrier.arrive $0xFFFF  }
0x55: {  	_ =	shalt  }

// kernel: kernel.9.cloned.1.call-start
scs
__scs_entry_jumppad:
0x0: {  	(pc) =	sbr.rel $0x88, $3  }
0x1: {  	(tag) =	ssettag $0x0;
	lr =	simm.s32 $0x1  }
0x2: {  	[smem:$0x3F8D] =	sst lr;
	_ =	strace $0xD0000000  }
0x3: {  	_ = 	snop  }
0x4: {  	_ = 	snop  }
0x5: {  	_ = 	snop  }
0x6: {  	_ = 	snop  }
0x7: {  	_ = 	snop  }
__scs_overlays_trampoline_lowered:
0x8: {  	[smem:$0x3F9C] =	sst s0  }
0x9: {  	[smem:$0x3F9D] =	sst s1  }
0xa: {  	[smem:$0x3F9E] =	sst s2  }
0xb: {  	[smem:$0x3F9F] =	sst s3  }
0xc: {  	[smem:$0x3FA0] =	sst s4  }
0xd: {  	[smem:$0x3FA1] =	sst s5  }
0xe: {  	[smem:$0x3FA2] =	sst s6  }
0xf: {  	[smem:$0x3FA3] =	sst s7  }
0x10: {  	[smem:$0x3FA4] =	sst s8  }
0x11: {  	[smem:$0x3FA5] =	sst s9;
	s0 =	simm.s32 @!p0 $0x0  }
0x12: {  	s1 =	sld [smem:$0x3F8B];
	s0 =	simm.s32 @p0 $0x1  }
0x13: {  	[smem:$0x3FA6] =	sst s0;
	s0 =	simm.s32 @!p1 $0x0  }
0x14: {  	s2 =	sld [smem:$0x3F8A];
	s0 =	simm.s32 @p1 $0x1  }
0x15: {  	[smem:$0x3FA7] =	sst s0;
	s0 =	simm.s32 @!p2 $0x0  }
0x16: {  	s3 =	sld [smem:$0x3FDB];
	s0 =	simm.s32 @p2 $0x1  }
0x17: {  	s4 =	simm.s32 $0x1BF5;
	[smem:$0x3FA9] =	sst s0  }
0x18: {  	s0 =	sld [smem:$0x3F8C];
	_ =	swait.ge [sflag:s4], $0x0  }
0x19: {  	s7 =	sld [smem:$0x3F8D]  }
0x1a: {  	s8 =	sadd.s32 $0xFFFFE003, lr  }
0x1b: {  	s9 =	sadd.s32 $0xFFFFFEF7, lr;
	s5 =	simm.s32 $0xFFFFFFFF;
	p2 =	slt.u32 s8, $0xFFFFF086  }
0x1c: {  	p1 =	slt.u32 s9, $0xF7A;
	s5 =	simm.s32 @!p2 $0x0  }
0x1d: {  	s5 =	simm.s32 @p1 $0x1;
	p0 =	seq.s32 s7, s2  }
0x1e: {  	s7 =	smul.u32 @!p0 $0xF7A, s2;
	p2 =	seq.s32 @!p0 s5, $0x0  }
0x1f: {  	s9 =	smul.u32 $0xF7A, s1;
	s8 =	simm.s32 @!p0 $0x1BF5;
	p2 =	por !p2, p0  }
0x20: {  	[sflag:s8] =	ssyncset.s32 @!p0 $0xFFFFF086;
	s6 =	sadd.s32 @!p0 s3, s7;
	s7 =	simm.s32 @!p0 $0x108  }
0x21: {  	s3 =	sadd.s32 s3, s9;
	s6 =	sadd.s32 @!p0 $0x88, s6;
	s7 =	simm.s32 @p2 $0x1082  }
0x22: {  	[simem:s7], [sflag:s8] =	dma.local @!p0 [hbm:s6], $0xF7A  }
0x23: {  	s9 =	sor.u32 $0xD0000000, s2;
	s6 =	simm.s32 $0x108;
	_ =	swait.ge @!p0 [sflag:s8], $0x0  }
0x24: {  	s3 =	sadd.s32 $0x88, s3;
	s6 =	simm.s32 @!p1 $0x1082;
	[sflag:s4] =	ssyncset.s32 $0xFFFFF086  }
0x25: {  	[simem:s6], [sflag:s4] =	dma.local [hbm:s3], $0xF7A  }
0x26: {  	[smem:$0x3F8D] =	sst s1;
	(tag) =	ssettag s2;
	_ =	strace s9  }
0x27: {  	s1 =	sld [smem:$0x3F9D]  }
0x28: {  	s2 =	sld [smem:$0x3F9E]  }
0x29: {  	s4 =	sld [smem:$0x3FA0]  }
0x2a: {  	p0 =	seq.s32 s5, $0x0;
	s5 =	sld [smem:$0x3FA1]  }
0x2b: {  	s6 =	sld [smem:$0x3FA2]  }
0x2c: {  	s7 =	sld [smem:$0x3FA3]  }
0x2d: {  	s3 =	simm.s32 $0x108;
	s8 =	sld [smem:$0x3FA4]  }
0x2e: {  	s3 =	simm.s32 @!p0 $0x1082;
	s9 =	sld [smem:$0x3FA5]  }
0x2f: {  	lr =	sadd.s32 s0, s3;
	s0 =	sld [smem:$0x3F9C]  }
0x30: {  	s3 =	sld [smem:$0x3F9F]  }
0x31: {  	[smem:$0x3FA8] =	sst s10  }
0x32: {  	s10 =	sld [smem:$0x3FA6];
	_ =	sdelay $0x3  }
0x33: {  	p0 =	seq.s32 s10, $0x1;
	s10 =	sld [smem:$0x3FA8];
	_ =	sdelay $0x3  }
0x34: {  	[smem:$0x3FA8] =	sst s10  }
0x35: {  	s10 =	sld [smem:$0x3FA7];
	_ =	sdelay $0x3  }
0x36: {  	p1 =	seq.s32 s10, $0x1;
	s10 =	sld [smem:$0x3FA8];
	_ =	sdelay $0x3  }
0x37: {  	[smem:$0x3FA8] =	sst s10  }
0x38: {  	s10 =	sld [smem:$0x3FA9]  }
0x39: {  	_ = 	snop;
	(pc) =	sbr.ind lr, $3  }
0x3a: {  	_ = 	snop  }
0x3b: {  	_ = 	snop  }
0x3c: {  	p2 =	seq.s32 s10, $0x1;
	s10 =	sld [smem:$0x3FA8]  }
0x3d: {  	_ =	shalt  }
0x3e: {  	_ =	shalt  }
0x3f: {  	_ =	shalt  }
0x40: {  	_ =	shalt  }
0x41: {  	_ =	shalt  }
0x42: {  	_ =	shalt  }
0x43: {  	_ =	shalt  }
0x44: {  	_ =	shalt  }
0x45: {  	_ =	shalt  }
0x46: {  	_ =	shalt  }
0x47: {  	_ =	shalt  }
0x48: {  	_ =	shalt  }
0x49: {  	_ =	shalt  }
0x4a: {  	_ =	shalt  }
0x4b: {  	_ =	shalt  }
0x4c: {  	_ =	shalt  }
0x4d: {  	_ =	shalt  }
0x4e: {  	_ =	shalt  }
0x4f: {  	_ =	shalt  }
0x50: {  	_ =	shalt  }
0x51: {  	_ =	shalt  }
0x52: {  	_ =	shalt  }
0x53: {  	_ =	shalt  }
0x54: {  	_ =	shalt  }
0x55: {  	_ =	shalt  }
0x56: {  	_ =	shalt  }
0x57: {  	_ =	shalt  }
0x58: {  	_ =	shalt  }
0x59: {  	_ =	shalt  }
0x5a: {  	_ =	shalt  }
0x5b: {  	_ =	shalt  }
0x5c: {  	_ =	shalt  }
0x5d: {  	_ =	shalt  }
0x5e: {  	_ =	shalt  }
0x5f: {  	_ =	shalt  }
0x60: {  	_ =	shalt  }
0x61: {  	_ =	shalt  }
0x62: {  	_ =	shalt  }
0x63: {  	_ =	shalt  }
0x64: {  	_ =	shalt  }
0x65: {  	_ =	shalt  }
0x66: {  	_ =	shalt  }
0x67: {  	_ =	shalt  }
0x68: {  	_ =	shalt  }
0x69: {  	_ =	shalt  }
0x6a: {  	_ =	shalt  }
0x6b: {  	_ =	shalt  }
0x6c: {  	_ =	shalt  }
0x6d: {  	_ =	shalt  }
0x6e: {  	_ =	shalt  }
0x6f: {  	_ =	shalt  }
0x70: {  	_ =	shalt  }
0x71: {  	_ =	shalt  }
0x72: {  	_ =	shalt  }
0x73: {  	_ =	shalt  }
0x74: {  	_ =	shalt  }
0x75: {  	_ =	shalt  }
0x76: {  	_ =	shalt  }
0x77: {  	_ =	shalt  }
0x78: {  	_ =	shalt  }
0x79: {  	_ =	shalt  }
0x7a: {  	_ =	shalt  }
0x7b: {  	_ =	shalt  }
0x7c: {  	_ =	shalt  }
0x7d: {  	_ =	shalt  }
0x7e: {  	_ =	shalt  }
0x7f: {  	_ =	shalt  }
0x80: {  	_ =	shalt  }
0x81: {  	_ =	shalt  }
0x82: {  	_ =	shalt  }
0x83: {  	_ =	shalt  }
0x84: {  	_ =	shalt  }
0x85: {  	_ =	shalt  }
0x86: {  	_ =	shalt  }
0x87: {  	_ =	shalt  }
.Lfunc_end0:
.L_simem_size_0:
called_computation.1_lowered:
.L_overlay_start_0:
0x88: {  	s2 =	sld [smem:$0x3FD9]  }
0x89: {  	s3 =	sld [smem:$0x3FFE];
	_ =	sdelay $0x1  }
0x8a: {  	s1 =	srdreg.scid  }
0x8b: {  	s0 =	sand.u32 $0x1, s1  }
0x8c: {  	s17 =	sshll.u32 s0, $0xA;
	s2 =	sadd.s32 s3, s2  }
0x8d: {  	s2 =	sadd.s32 s2, s17  }
0x8e: {  	[smem:$0x3FB4] =	sst s2  }
0x8f: {  	_ = 	snop  }
0x90: {  	s18 =	sld [smem:$0x3FD0];
	(tm) =	ssettm $0x1  }
0x91: {  	s19 =	sld [smem:$0x3FFB];
	_ =	sdelay $0x3  }
0x92: {  	_ =	strace s19  }
0x93: {  	s2 =	sld [smem:$0x3FFC];
	_ =	sdelay $0x3  }
0x94: {  	_ =	strace s2  }
0x95: {  	s2 =	sld [smem:$0x3FFD];
	_ =	sdelay $0x3  }
0x96: {  	_ =	strace s2  }
0x97: {  	_ =	strace $0x8FFFFFFF  }
0x98: {  	s20 =	sld [smem:$0x3FDB];
	_ =	sdelay $0x1  }
0x99: {  	s4 =	simm.s32 $_scs_section_size  }
0x9a: {  	s5 =	simm.s32 $_size__tile_overlayer_lowered;
	s6 =	simm.s32 $_tile_overlayer_lowered  }
0x9b: {  	s7 =	simm.s32 $0x1BFF;
	s21 =	sshll.u32 s6, $0x1;
	s4 =	sadd.s32 s4, s20  }
0x9c: {  	s22 =	simm.s32 $0x0;
	s5 =	sshll.u32 s5, $0x1;
	s6 =	sadd.s32 s21, s4  }
0x9d: {  	[timem:s22], [sflag:s7] =	dma.local [hbm:s6], s5  }
0x9e: {  	_ =	swait.ge [sflag:s7], s5  }
0x9f: {  	s5 =	ssub.s32 $0x0, s5;
	[sflag:s7] =	ssyncset.done $0x0  }
0xa0: {  	[sflag:s7] =	ssyncadd.s32 s5;
	_ =	sdelay $0x1  }
0xa1: {  	s23 =	simm.s32 $0x1B8B  }
0xa2: {  	_ =	swait.ge [sflag:s23], $0x1  }
0xa3: {  	[sflag:s23] =	ssyncset.done $0x0  }
0xa4: {  	[sflag:s23] =	ssyncadd.s32 $0xFFFFFFFF  }
0xa5: {  	s5 =	sld [smem:$0x0]  }
0xa6: {  	s6 =	sand.u32 $0xFFFFFFFE, s1  }
0xa7: {  	p0 =	sne.s32 s1, s6  }
0xa8: {  	s6 =	sshll.u32 @p0 s6, $0xE  }
0xa9: {  	s6 =	sadd.s32 @p0 $0x11B8D, s6;
	s7 =	sshll.u32 @p0 s5, $0x11  }
0xaa: {  	s6 =	sor.u32 @p0 s7, s6  }
0xab: {  	[sflag:s6] =	ssyncadd.remote.s32 @p0 $0x1;
	_ =	sdelay $0x1  }
0xac: {  	s6 =	simm.s32 @p0 $0x1B8D  }
0xad: {  	_ =	swait.eq @p0 [sflag:s6], $0x1  }
0xae: {  	[sflag:s6] =	ssyncadd.s32 @p0 $0xFFFFFFFF  }
0xaf: {  	s7 =	sshll.u32 @!p0 s1, $0xE  }
0xb0: {  	s7 =	sor.u32 @!p0 $0x4000, s7;
	s6 =	simm.s32 @!p0 $0x1B8D  }
0xb1: {  	s5 =	sshll.u32 @!p0 s5, $0x11;
	s7 =	sadd.s32 @!p0 $0x11B8D, s7;
	_ =	swait.eq @!p0 [sflag:s6], $0x1  }
0xb2: {  	s5 =	sor.u32 @!p0 s5, s7;
	[sflag:s6] =	ssyncadd.s32 @!p0 $0xFFFFFFFF  }
0xb3: {  	s25 =	simm.s32 $0x1B8E;
	s24 =	sld [smem:$0x3FFE];
	[sflag:s5] =	ssyncadd.remote.s32 @!p0 $0x1  }
0xb4: {  	s26 =	simm.s32 $execute0_lowered;
	[smem:$0x3FD2] =	sst s25  }
0xb5: {  	s6 =	sshll.u32 s26, $0x1;
	_ =	strace $0x80000049;
	[dreg:$0x1] =	wrdreg $0xFFFFFFFF  }
0xb6: {  	s28 =	simm.s32 $_size_execute0_lowered;
	s4 =	sadd.s32 s4, s6;
	[dreg:$0x0] =	wrdreg $0x0  }
0xb7: {  	s6 =	sshll.u32 s28, $0x1;
	[dreg:$0x2] =	wrdreg s4  }
0xb8: {  	[dreg:$0x3] =	wrdreg s6  }
0xb9: {  	[dreg:$0x4] =	wrdreg $0xC0  }
0xba: {  	_ =	task [dreg:s22], $0x5FFFF  }
0xbb: {  	[dreg:$0x1] =	wrdreg $0xFFFFFFFF  }
0xbc: {  	[dreg:$0x0] =	wrdreg $0x60  }
0xbd: {  	[dreg:$0x2] =	wrdreg s18  }
0xbe: {  	[dreg:$0x3] =	wrdreg s24  }
0xbf: {  	[dreg:$0x4] =	wrdreg $0xA  }
0xc0: {  	_ =	task.clear_ibuf [dreg:s22], $0x5FFFF;
	_ =	strace $0x90000049  }
0xc1: {  	s29 =	simm.s32 $0xA;
	_ =	strace $0x8000004B  }
0xc2: {  	_ =	swait.ge [sflag:s29], $0x1  }
0xc3: {  	[sflag:s29] =	ssyncadd.s32 $0xFFFFFFFF  }
0xc4: {  	_ =	strace $0x9000004B  }
0xc5: {  	_ =	sfence  }
0xc6: {  	s30 =	sld [smem:$0x0];
	_ =	sdelay $0x2  }
0xc7: {  	s31 =	sshll.u32 s1, $0xD;
	s1 =	sshrl.u32 s1, $0x2  }
0xc8: {  	s4 =	sand.u32 $0x4000, s31;
	s1 =	sadd.s32 s1, s30  }
0xc9: {  	s0 =	sor.u32 s4, s0;
	s1 =	sshll.u32 s1, $0x11  }
0xca: {  	s0 =	sor.u32 s1, s0  }
0xcb: {  	s0 =	sadd.s32 $0x8F2B, s0  }
0xcc: {  	[sflag:s0] =	ssyncadd.remote.s32 $0x1  }
0xcd: {  	_ =	sfence.sel $0xFFFF  }
0xce: {  	[dreg:$0x0] =	wrdreg $0xFFFFFFFF;
	(pc) =	sbr.abs _section_cstart, $3  }
0xcf: {  	[dreg:$0x1] =	wrdreg $0xFFFFFFFF  }
0xd0: {  	_ =	task.clear_ibuf [dreg:s22], $0x2FFFF;
	_ =	strace $0x9FFFFFFF  }
0xd1: {  	(tm) =	ssettm $0x7FFFFFFF  }
tec
execute0_lowered:
.L_overlay_start_1:
0x0: {  	(tag) =	ssettag $0x1  }
0x1: {  	s2 =	rddreg [dreg:$0x0]  }
0x2: {  	s1 =	srdreg.scid;
	s0 =	stileid.u32  }
0x3: {  	s4 =	rddreg [dreg:$0x1];
	s3 =	simm.s32 $0x0;
	s13 =	simm.s32 $0x5900  }
0x4: {  	s14 =	simm.s32 $0x1;
	s15 =	simm.s32 $0x2;
	s25 =	smul.u32 $0x190000, s0  }
0x5: {  	s16 =	simm.s32 $0x1880;
	s7 =	sand.u32 $0x1, s1;
	s29 =	smul.u32 $0x32000, s0  }
0x6: {  	s17 =	simm.s32 $0x0;
	s5 =	sshll.u32 s0, $0x1;
	s28 =	smul.u32 $0xC8000, s7  }
0x7: {  	s1 =	rddreg [dreg:$0x2];
	s5 =	sor.u32 s7, s5;
	s30 =	smul.u32 $0x19000, s7  }
0x8: {  	[smem:$0x7FF] =	sst s3;
	s8 =	ssub.s32 $0x2, s7;
	s6 =	smul.u32 $0x1900, s5  }
0x9: {  	s12 =	sadd.s32 $0x32F800, s4;
	s9 =	smul.u32 $0xC8000, s5;
	s10 =	sshrl.u32 s8, $0x1  }
0xa: {  	_ =	strace $0x8000004A;
	s11 =	smul.u32 $0x19000, s5;
	s24 =	ssub.s32 s8, s10  }
0xb: {  	s8 =	sadd.s32 s28, s25;
	s10 =	sadd.s32 s29, s12;
	s6 =	sshrl.u32 s6, $0x3  }
0xc: {  	s26 =	sshrl.u32 s9, $0x3;
	s5 =	smax.u32 s24, $0x1;
	s31 =	sadd.s32 s12, s11  }
0xd: {  	s8 =	sshrl.u32 s8, $0x3;
	s9 =	sadd.s32 s30, s10;
	s10 =	simm.s32 $0x3  }
0xe: {  	s11 =	simm.s32 $0x1900;
	s6 =	sadd.s32 s6, s4;
	s7 =	sadd.s32 $0x18800, s31  }
0xf: {  	s8 =	sadd.s32 s8, s12;
	s4 =	sadd.s32 $0x329400, s6;
	s6 =	sadd.s32 s12, s26  }
0x10: {  	s9 =	sadd.s32 $0x800, s9;
	s12 =	simm.s32 $0x80;
	s6 =	sadd.s32 $0x18000, s6  }
.LBB2_1:
0x11: {  	[tilespmem:s3], [sflag:$0x3] =	stream.linear.gather [hbm4b:s4+s3], $0x1900, $0x38;
	[tilespmem:$0x9900] =	vst v63  }
0x12: {  	_ =	swait.ge [sflag:s10], $0x1900  }
0x13: {  	[sflag:s10] =	ssyncset.done $0x0  }
0x14: {  	[sflag:s10] =	ssyncadd.s32 $0xFFFFE700  }
0x15: {  	[tilespmem:s11], [sflag:$0x1] =	stream.indirect.gather [hbm4b:s2+s12], $0x80, s3, s12, $0xb8;
	[tilespmem:$0x9900] =	vst v63  }
0x16: {  	_ = 	snop  }
0x17: {  	[tilespmem:s13], [sflag:$0x2] =	stream.indirect.gather [hbm4b:s2+s12], $0x80, s12, s12, $0xb8;
	[tilespmem:$0x9900] =	vst v63  }
0x18: {  	_ =	swait.ge [sflag:s14], $0x4000  }
0x19: {  	[sflag:s14] =	ssyncset.done $0x0  }
0x1a: {  	s18 =	sadd.s32 $0x0, s8;
	[sflag:s14] =	ssyncadd.s32 $0xFFFFC000  }
0x1b: {  	[hbm4b:s18+s3] =	stream.linear.scatter [tilespmem:s11], [sflag:$0x3], $0x4000, $0x38;
	[tilespmem:$0x9900] =	vst v63  }
0x1c: {  	_ =	swait.ge [sflag:s10], $0x4000  }
0x1d: {  	[sflag:s10] =	ssyncset.done $0x0  }
0x1e: {  	s30 =	simm.s32 $0x100;
	[sflag:s10] =	ssyncadd.s32 $0xFFFFC000  }
0x1f: {  	[tilespmem:s11], [sflag:$0x1] =	stream.indirect.gather [hbm4b:s2+s12], $0x80, s30, s12, $0xb8;
	[tilespmem:$0x9900] =	vst v63  }
0x20: {  	_ =	swait.ge [sflag:s15], $0x4000  }
0x21: {  	[sflag:s15] =	ssyncset.done $0x0  }
0x22: {  	s31 =	sadd.s32 $0x0, s9;
	[sflag:s15] =	ssyncadd.s32 $0xFFFFC000  }
0x23: {  	[hbm4b:s31+s3] =	stream.linear.scatter [tilespmem:s13], [sflag:$0x3], $0x4000, $0x38;
	[tilespmem:$0x9900] =	vst v63  }
0x24: {  	_ =	swait.ge [sflag:s10], $0x4000  }
0x25: {  	s19 =	simm.s32 $0x80;
	s18 =	simm.s32 $0x1000;
	[sflag:s10] =	ssyncset.done $0x0  }
.LBB2_2:
0x26: {  	p0 =	sne.s32 s18, $0x17000;
	[sflag:s10] =	ssyncadd.s32 $0xFFFFC000;
	s19 =	sadd.s32 $0x100, s19  }
0x27: {  	[tilespmem:s13], [sflag:$0x2] =	stream.indirect.gather [hbm4b:s2+s12], $0x80, s19, s12, $0xb8;
	[tilespmem:$0x9900] =	vst v63  }
0x28: {  	s20 =	smov.u32 s18;
	s18 =	sadd.s32 $0x1000, s18;
	_ =	swait.ge [sflag:s14], $0x4000  }
0x29: {  	[sflag:s14] =	ssyncset.done $0x0  }
0x2a: {  	s21 =	sadd.s32 s20, s8;
	[sflag:s14] =	ssyncadd.s32 $0xFFFFC000  }
0x2b: {  	[hbm4b:s21+s3] =	stream.linear.scatter [tilespmem:s11], [sflag:$0x3], $0x4000, $0x38;
	[tilespmem:$0x9900] =	vst v63  }
0x2c: {  	_ =	swait.ge [sflag:s10], $0x4000  }
0x2d: {  	[sflag:s10] =	ssyncset.done $0x0  }
0x2e: {  	s21 =	sadd.s32 $0x80, s19;
	[sflag:s10] =	ssyncadd.s32 $0xFFFFC000  }
0x2f: {  	[tilespmem:s11], [sflag:$0x1] =	stream.indirect.gather [hbm4b:s2+s12], $0x80, s21, s12, $0xb8;
	[tilespmem:$0x9900] =	vst v63  }
0x30: {  	_ =	swait.ge [sflag:s15], $0x4000  }
.Ltmp0:
0x31: {  	[sflag:s15] =	ssyncset.done $0x0;
	(pc) =	sbr.rel @p0 .LBB2_2-.Ltmp0, $4  }
0x32: {  	s20 =	sadd.s32 s20, s9;
	[sflag:s15] =	ssyncadd.s32 $0xFFFFC000  }
0x33: {  	[hbm4b:s20+s3] =	stream.linear.scatter [tilespmem:s13], [sflag:$0x3], $0x4000, $0x38;
	[tilespmem:$0x9900] =	vst v63  }
0x34: {  	_ =	swait.ge [sflag:s10], $0x4000  }
0x35: {  	[sflag:s10] =	ssyncset.done $0x0  }
0x36: {  	[sflag:s10] =	ssyncadd.s32 $0xFFFFC000  }
0x37: {  	[tilespmem:s13], [sflag:$0x2] =	stream.indirect.gather [hbm4b:s2+s12], $0x80, s16, s12, $0xb8;
	[tilespmem:$0x9900] =	vst v63  }
0x38: {  	_ =	swait.ge [sflag:s14], $0x4000  }
0x39: {  	[sflag:s14] =	ssyncset.done $0x0  }
0x3a: {  	[sflag:s14] =	ssyncadd.s32 $0xFFFFC000  }
0x3b: {  	[hbm4b:s6+s3] =	stream.linear.scatter [tilespmem:s11], [sflag:$0x3], $0x4000, $0x38;
	[tilespmem:$0x9900] =	vst v63  }
0x3c: {  	_ =	swait.ge [sflag:s10], $0x4000  }
0x3d: {  	[sflag:s10] =	ssyncset.done $0x0  }
0x3e: {  	[sflag:s10] =	ssyncadd.s32 $0xFFFFC000  }
0x3f: {  	s17 =	sadd.s32 $0x1, s17;
	_ =	swait.ge [sflag:s15], $0x4000  }
0x40: {  	p0 =	sne.s32 s17, s5;
	[sflag:s15] =	ssyncset.done $0x0  }
.Ltmp1:
0x41: {  	[sflag:s15] =	ssyncadd.s32 $0xFFFFC000;
	(pc) =	sbr.rel @p0 .LBB2_1-.Ltmp1, $4  }
0x42: {  	[hbm4b:s7+s3] =	stream.linear.scatter [tilespmem:s13], [sflag:$0x3], $0x4000, $0x38;
	[tilespmem:$0x9900] =	vst v63  }
0x43: {  	_ =	swait.ge [sflag:s10], $0x4000  }
0x44: {  	[sflag:s10] =	ssyncset.done $0x0  }
0x45: {  	[sflag:s10] =	ssyncadd.s32 $0xFFFFC000  }
0x46: {  	_ =	sfence.sel $0x180000  }
0x47: {  	[bflag:$0x0] =	sbarrier.arrive $0xFFFF  }
0x48: {  	p0 =	sne.s32 s0, $0x0;
	_ =	strace $0x9000004A  }
0x49: {  	s0 =	sadd.s32 @!p0 $0x100000, s1;
	[bflag:$0x2] =	sbarrier.arrive $0xFFFF  }
0x4a: {  	[sflag:s0] =	ssyncadd.tile.s32 @!p0 $0x1;
	_ =	shalt  }
.Lfunc_end2:
_tile_overlayer_lowered:
.L_overlay_start_2:
0x4b: {  	(tag) =	ssettag $0x2  }
0x4c: {  	s0 =	rddreg [dreg:$0x0];
	s2 =	stileid.u32  }
0x4d: {  	s1 =	rddreg [dreg:$0x1];
	p0 =	sne.s32 s2, $0x0  }
0x4e: {  	s3 =	rddreg [dreg:$0x2];
	[bflag:$0x3] =	sbarrier.arrive $0xFFFF;
	s2 =	simm.s32 @!p0 $0x1C03  }
0x4f: {  	[timem:s3], [sflag:s2] =	dma.local @!p0 [hbm:s0], s1  }
0x50: {  	s0 =	simm.s32 @!p0 $0x3  }
0x51: {  	_ =	swait.ge @!p0 [sflag:s0], s1  }
0x52: {  	s1 =	ssub.s32 @!p0 $0x0, s1;
	[sflag:s0] =	ssyncset.done @!p0 $0x0  }
0x53: {  	[sflag:s0] =	ssyncadd.s32 @!p0 s1  }
0x54: {  	[bflag:$0x3] =	sbarrier.arrive $0xFFFF  }
0x55: {  	_ =	shalt  }

</sc_bundles>
